<compile_context>
chip_gen: v7x
topology: tpu7x:2x2x1
jax: 0.10.2.dev20260603
libtpu: 0.0.44.dev20260713+nightly
codegen_flags: <defaults>
</compile_context>

<pallas_src>
import functools

import jax
import jax.numpy as jnp
from jax import lax
from jax.experimental import pallas as pl
from jax.experimental.pallas import tpu as pltpu
from jax.experimental.pallas import tpu_sc as plsc

N = 10000
D = 128
H = 128
E = 320000
EPS = 1e-5

NC = 2
NS = 16
NW = NC * NS
RPT = 632
NPAD = NS * RPT
EPW = E // NW
CHUNK = 80
NCHUNK = 128
HALF0 = 64
PPW = NCHUNK * CHUNK - EPW

_SELU_SCALE = 1.0507009873554805
_SELU_ALPHA = 1.6732632423543772

_HI = lax.Precision.HIGHEST


def _selu(x):
    neg = _SELU_ALPHA * (jnp.exp(jnp.minimum(x, 0.0)) - 1.0)
    return _SELU_SCALE * jnp.where(x > 0, x, neg)


def _batchnorm(s, g, beta):
    m = jnp.mean(s, axis=0, keepdims=True)
    v = jnp.mean((s - m) ** 2, axis=0, keepdims=True)
    return (s - m) * lax.rsqrt(v + EPS) * g + beta



def _pre_body(x_ref, w00_ref, w10a_ref, q0_ref, r1_ref):
    x = x_ref[...]
    q0_ref[...] = jnp.dot(x, w00_ref[...], precision=_HI,
                          preferred_element_type=jnp.float32)
    r1_ref[...] = jnp.dot(x, w10a_ref[...], precision=_HI,
                          preferred_element_type=jnp.float32)


def _mid_body(p0_ref, p1_ref, ba_ref, wb_ref, bb_ref, g_ref, beta_ref,
              r1_ref, w10b_ref, c0_ref, q1_ref):
    agg = p0_ref[...] + p1_ref[...]
    hid = jnp.maximum(agg + ba_ref[...], 0.0)
    out = jnp.dot(hid, wb_ref[...], precision=_HI,
                  preferred_element_type=jnp.float32) + bb_ref[...]
    c0 = _batchnorm(_selu(out), g_ref[...], beta_ref[...])
    c0_ref[...] = c0
    q1_ref[...] = r1_ref[...] + jnp.dot(c0, w10b_ref[...], precision=_HI,
                                        preferred_element_type=jnp.float32)


def _post_body(p0_ref, p1_ref, ba_ref, wb_ref, bb_ref, g_ref, beta_ref,
               c1_ref):
    agg = p0_ref[...] + p1_ref[...]
    hid = jnp.maximum(agg + ba_ref[...], 0.0)
    out = jnp.dot(hid, wb_ref[...], precision=_HI,
                  preferred_element_type=jnp.float32) + bb_ref[...]
    c1_ref[...] = _batchnorm(_selu(out), g_ref[...], beta_ref[...])


_f32 = lambda *s: jax.ShapeDtypeStruct(s, jnp.float32)

_pre = pl.pallas_call(
    _pre_body, out_shape=[_f32(N, H), _f32(N, H)])

_mid = pl.pallas_call(
    _mid_body, out_shape=[_f32(N, H), _f32(N, H)])

_post = pl.pallas_call(
    _post_body, out_shape=_f32(N, H))



def _spmm_body(q_hbm, src_hbm, dst_hbm, zeros_hbm, out0_hbm, out1_hbm,
               idx_s, idx_d, rows_a, rows_b, acc, sem_a, sem_b):
    cid = lax.axis_index("c")
    sid = lax.axis_index("s")
    wid = cid * NS + sid
    r0 = sid * RPT
    pltpu.sync_copy(zeros_hbm.at[pl.ds(r0, RPT)], acc.at[pl.ds(r0, RPT)])
    plsc.subcore_barrier()

    def gather(i, rows, sem):
        pltpu.async_copy(q_hbm.at[idx_s.at[i]], rows, sem)

    def wait_gather(rows, sem):
        pltpu.make_async_copy(q_hbm.at[idx_s.at[0]], rows, sem).wait()

    def scatter_add(i, rows):
        pltpu.sync_copy(rows, acc.at[idx_d.at[i]], add=True)

    def run_half(cnt):
        gather(0, rows_a, sem_a)

        def body(j, carry):
            i0 = 2 * j
            gather(i0 + 1, rows_b, sem_b)
            wait_gather(rows_a, sem_a)
            scatter_add(i0, rows_a)

            @pl.when(i0 + 2 < cnt)
            def _():
                gather(i0 + 2, rows_a, sem_a)

            wait_gather(rows_b, sem_b)
            scatter_add(i0 + 1, rows_b)
            return carry

        lax.fori_loop(0, cnt // 2, body, 0)
        if cnt % 2:
            wait_gather(rows_a, sem_a)
            scatter_add(cnt - 1, rows_a)

    for c0, cnt in ((0, HALF0), (HALF0, NCHUNK - HALF0)):
        pltpu.sync_copy(src_hbm.at[wid, pl.ds(c0, cnt)],
                        idx_s.at[pl.ds(0, cnt)])
        pltpu.sync_copy(dst_hbm.at[wid, pl.ds(c0, cnt)],
                        idx_d.at[pl.ds(0, cnt)])
        run_half(cnt)
    plsc.subcore_barrier()

    @pl.when(cid == 0)
    def _():
        pltpu.sync_copy(acc.at[pl.ds(r0, RPT)], out0_hbm.at[pl.ds(r0, RPT)])

    @pl.when(cid == 1)
    def _():
        pltpu.sync_copy(acc.at[pl.ds(r0, RPT)], out1_hbm.at[pl.ds(r0, RPT)])


_spmm = pl.kernel(
    _spmm_body,
    out_type=[_f32(NPAD, H), _f32(NPAD, H)],
    mesh=plsc.VectorSubcoreMesh(core_axis_name="c", subcore_axis_name="s"),
    scratch_types=[
        pltpu.VMEM((HALF0, CHUNK), jnp.int32),
        pltpu.VMEM((HALF0, CHUNK), jnp.int32),
        pltpu.VMEM((CHUNK, H), jnp.float32),
        pltpu.VMEM((CHUNK, H), jnp.float32),
        pltpu.VMEM_SHARED((NPAD, H), jnp.float32),
        pltpu.SemaphoreType.DMA,
        pltpu.SemaphoreType.DMA,
    ],
)


def kernel(x, edge_index, W0_0, b0_0, W0_1, b0_1, W1_0, b1_0, W1_1, b1_1,
           g0, beta0, g1, beta1):
    src = jnp.concatenate(
        (edge_index[0].reshape(NW, EPW), jnp.zeros((NW, PPW), jnp.int32)),
        axis=1).reshape(NW, NCHUNK, CHUNK)
    pad_rows = (jnp.arange(NW, dtype=jnp.int32)[:, None] * 7
                + jnp.arange(PPW, dtype=jnp.int32)[None, :]) % (NPAD - N) + N
    dst = jnp.concatenate(
        (edge_index[1].reshape(NW, EPW), pad_rows),
        axis=1).reshape(NW, NCHUNK, CHUNK)
    zeros = jnp.zeros((NPAD, H), jnp.float32)

    b0_0r = b0_0.reshape(1, H)
    b0_1r = b0_1.reshape(1, H)
    b1_0r = b1_0.reshape(1, H)
    b1_1r = b1_1.reshape(1, H)
    g0r = g0.reshape(1, H)
    beta0r = beta0.reshape(1, H)
    g1r = g1.reshape(1, H)
    beta1r = beta1.reshape(1, H)

    q0, r1 = _pre(x, W0_0, W1_0[:D])
    p0a, p0b = _spmm(q0, src, dst, zeros)
    c0, q1 = _mid(p0a[:N], p0b[:N], b0_0r, W0_1, b0_1r, g0r, beta0r,
                  r1, W1_0[D:])
    p1a, p1b = _spmm(q1, src, dst, zeros)
    c1 = _post(p1a[:N], p1b[:N], b1_0r, W1_1, b1_1r, g1r, beta1r)
    return jnp.concatenate((x, c0, c1), axis=-1)

# --- scband reference (transcript-rebuilt; emitter-appended) ---
"""Pipeline reference for scband-graph-encoder-87024627352056 (READ-ONLY COPY).

The authoritative reference and input builder live on the scoring server;
editing this copy changes nothing except your own understanding.
"""

import jax, jax.numpy as jnp
import numpy as np

N = 10000
E = 320000
D = 128
H = 128
EPS = 1e-5


def setup_inputs(seed: int = 0) -> dict:
    key = jax.random.key(seed)
    ks = jax.random.split(key, 16)
    x = jax.random.normal(ks[0], (N, D), dtype=jnp.float32)
    edge_index = jax.random.randint(ks[1], (2, E), 0, N)

    def lin(k, fan_in, fan_out):
        bound = 1.0 / np.sqrt(fan_in)
        kw, kb = jax.random.split(k)
        W = jax.random.uniform(kw, (fan_in, fan_out), jnp.float32, -bound, bound)
        b = jax.random.uniform(kb, (fan_out,), jnp.float32, -bound, bound)
        return W, b

    # gconv layer 0: GraphCapsuleConv(D -> H) with 2 gfc layers
    W0_0, b0_0 = lin(ks[2], D, H)
    W0_1, b0_1 = lin(ks[3], H, H)
    # gconv layer 1: GraphCapsuleConv(D+H -> H) with 2 gfc layers
    W1_0, b1_0 = lin(ks[4], D + H, H)
    W1_1, b1_1 = lin(ks[5], H, H)
    # batchnorm affine params
    g0 = jnp.ones((H,), jnp.float32)
    beta0 = jnp.zeros((H,), jnp.float32)
    g1 = jnp.ones((H,), jnp.float32)
    beta1 = jnp.zeros((H,), jnp.float32)
    return {
        "x": x, "edge_index": edge_index,
        "W0_0": W0_0, "b0_0": b0_0, "W0_1": W0_1, "b0_1": b0_1,
        "W1_0": W1_0, "b1_0": b1_0, "W1_1": W1_1, "b1_1": b1_1,
        "g0": g0, "beta0": beta0, "g1": g1, "beta1": beta1,
    }


def _gcaps_conv(h, src, dst, W_a, b_a, W_b, b_b):
    # message passing: gather source features, scatter-add to destination
    msg = jnp.take(h, src, axis=0)
    agg = jax.ops.segment_sum(msg, dst, num_segments=N)
    # stack of num_gfc_layers=2 linear layers (ReLU between, none at end)
    hid = jax.nn.relu(agg @ W_a + b_a)
    out = hid @ W_b + b_b
    return out


def _batchnorm(h, gamma, beta):
    mean = jnp.mean(h, axis=0)
    var = jnp.var(h, axis=0)
    return (h - mean) / jnp.sqrt(var + EPS) * gamma + beta


def reference(x, edge_index, W0_0, b0_0, W0_1, b0_1, W1_0, b1_0, W1_1, b1_1, g0, beta0, g1, beta1):
    src = edge_index[0]
    dst = edge_index[1]
    x_prev = x
    # layer 0
    x_curr = jax.nn.selu(_gcaps_conv(x_prev, src, dst, W0_0, b0_0, W0_1, b0_1))
    x_curr = _batchnorm(x_curr, g0, beta0)
    x_prev = jnp.concatenate((x_prev, x_curr), axis=-1)
    # layer 1
    x_curr = jax.nn.selu(_gcaps_conv(x_prev, src, dst, W1_0, b1_0, W1_1, b1_1))
    x_curr = _batchnorm(x_curr, g1, beta1)
    x_prev = jnp.concatenate((x_prev, x_curr), axis=-1)
    return x_prev

if __name__ == "__main__":
    import jax
    _d = setup_inputs()
    print(jax.jit(kernel)(*tuple(_d.values())))

</pallas_src>

<mosaic_0001>
#map = affine_map<(d0, d1) -> (0, 0)>
#map1 = affine_map<(d0, d1) -> (0, 0, 0)>
module attributes {stable_mosaic.version = 14 : i64} {
  func.func @_spmm_body(%arg0: i32, %arg1: i32, %arg2: memref<10000x128xf32, #tpu.memory_space<hbm>>, %arg3: memref<32x128x80xi32, #tpu.memory_space<hbm>>, %arg4: memref<32x128x80xi32, #tpu.memory_space<hbm>>, %arg5: memref<10112x128xf32, #tpu.memory_space<hbm>>, %arg6: memref<10112x128xf32, #tpu.memory_space<hbm>>, %arg7: memref<10112x128xf32, #tpu.memory_space<hbm>>, %arg8: memref<64x80xi32, #tpu.memory_space<vmem>>, %arg9: memref<64x80xi32, #tpu.memory_space<vmem>>, %arg10: memref<80x128xf32, #tpu.memory_space<vmem>>, %arg11: memref<80x128xf32, #tpu.memory_space<vmem>>, %arg12: memref<10112x128xf32, #tpu.memory_space<vmem_shared>>, %arg13: memref<!tpu.dma_semaphore, #tpu.memory_space<semaphore_mem>>, %arg14: memref<!tpu.dma_semaphore, #tpu.memory_space<semaphore_mem>>) attributes {dimension_semantics = [#tpu.dimension_semantics<core_parallel>, #tpu.dimension_semantics<subcore_parallel>], iteration_bounds = array<i64: 2, 16>, scalar_prefetch = 0 : i64, scratch_operands = 7 : i64, tpu.core_type = #tpu.core_type<sc_vector_subcore>, window_params = [{transform_indices = #map}, {transform_indices = #map1}, {transform_indices = #map1}, {transform_indices = #map}, {transform_indices = #map}, {transform_indices = #map}]} {
    %mul3A = arith.constant 16 : i32
    %mul3A_0 = arith.muli %arg0, %mul3A : i32
    %add3A = arith.addi %mul3A_0, %arg1 : i32
    %mul3A_1 = arith.constant 632 : i32
    %mul3A_2 = arith.muli %arg1, %mul3A_1 : i32
    "tpu.region"() ({
      %run_scoped3A = tpu.sem_alloc : memref<!tpu.dma_semaphore, #tpu.memory_space<semaphore_mem>>
      %dma_start3A_35 = arith.constant 0 : i32
      %dma_start3A_36 = tpu.memref_slice %arg12[%mul3A_2, %dma_start3A_35] : memref<10112x128xf32, #tpu.memory_space<vmem_shared>> -> memref<632x128xf32, #tpu.memory_space<vmem_shared>>
      %dma_start3A_37 = arith.constant 0 : i32
      %dma_start3A_38 = tpu.memref_slice %arg5[%mul3A_2, %dma_start3A_37] : memref<10112x128xf32, #tpu.memory_space<hbm>> -> memref<632x128xf32, #tpu.memory_space<hbm>>
      tpu.enqueue_dma source(%dma_start3A_38 : memref<632x128xf32, #tpu.memory_space<hbm>>) target(%dma_start3A_36 : memref<632x128xf32, #tpu.memory_space<vmem_shared>>) target_semaphore(%run_scoped3A : memref<!tpu.dma_semaphore, #tpu.memory_space<semaphore_mem>>)
      %dma_wait3A = arith.constant 0 : i32
      %dma_wait3A_39 = tpu.memref_slice %arg12[%mul3A_2, %dma_wait3A] : memref<10112x128xf32, #tpu.memory_space<vmem_shared>> -> memref<632x128xf32, #tpu.memory_space<vmem_shared>>
      %dma_wait3A_40 = arith.constant 0 : i32
      %dma_wait3A_41 = tpu.memref_slice %arg5[%mul3A_2, %dma_wait3A_40] : memref<10112x128xf32, #tpu.memory_space<hbm>> -> memref<632x128xf32, #tpu.memory_space<hbm>>
      tpu.wait_dma2 semaphore(%run_scoped3A : memref<!tpu.dma_semaphore, #tpu.memory_space<semaphore_mem>>) src(%dma_wait3A_41 : memref<632x128xf32, #tpu.memory_space<hbm>>) dst(%dma_wait3A_39 : memref<632x128xf32, #tpu.memory_space<vmem_shared>>)
      tpu.yield
    }) : () -> ()
    %barrier3A = arith.constant 0 : index
    tpu.barrier barrier_id(%barrier3A)
    "tpu.region"() ({
      %run_scoped3A = tpu.sem_alloc : memref<!tpu.dma_semaphore, #tpu.memory_space<semaphore_mem>>
      %dma_start3A_35 = arith.constant 0 : i32
      %dma_start3A_36 = arith.constant 0 : i32
      %dma_start3A_37 = tpu.memref_slice %arg8[%dma_start3A_35, %dma_start3A_36] : memref<64x80xi32, #tpu.memory_space<vmem>> -> memref<64x80xi32, #tpu.memory_space<vmem>>
      %dma_start3A_38 = arith.constant 0 : i32
      %dma_start3A_39 = arith.constant 0 : i32
      %dma_start3A_40 = tpu.memref_slice %arg3[%add3A, %dma_start3A_38, %dma_start3A_39] : memref<32x128x80xi32, #tpu.memory_space<hbm>> -> memref<1x64x80xi32, #tpu.memory_space<hbm>>
      %dma_start3A_41 = tpu.memref_squeeze %dma_start3A_40 : memref<1x64x80xi32, #tpu.memory_space<hbm>> -> memref<64x80xi32, #tpu.memory_space<hbm>>
      %dma_start3A_42 = arith.constant 0 : i32
      %dma_start3A_43 = arith.constant 0 : i32
      %dma_start3A_44 = tpu.memref_slice %arg8[%dma_start3A_42, %dma_start3A_43] : memref<64x80xi32, #tpu.memory_space<vmem>> -> memref<64x80xi32, #tpu.memory_space<vmem>>
      %dma_start3A_45 = arith.constant 0 : i32
      %dma_start3A_46 = arith.constant 0 : i32
      %dma_start3A_47 = tpu.memref_slice %arg3[%add3A, %dma_start3A_45, %dma_start3A_46] : memref<32x128x80xi32, #tpu.memory_space<hbm>> -> memref<1x64x80xi32, #tpu.memory_space<hbm>>
      %dma_start3A_48 = tpu.memref_squeeze %dma_start3A_47 : memref<1x64x80xi32, #tpu.memory_space<hbm>> -> memref<64x80xi32, #tpu.memory_space<hbm>>
      tpu.enqueue_dma source(%dma_start3A_48 : memref<64x80xi32, #tpu.memory_space<hbm>>) target(%dma_start3A_44 : memref<64x80xi32, #tpu.memory_space<vmem>>) target_semaphore(%run_scoped3A : memref<!tpu.dma_semaphore, #tpu.memory_space<semaphore_mem>>)
      %dma_wait3A = arith.constant 0 : i32
      %dma_wait3A_49 = arith.constant 0 : i32
      %dma_wait3A_50 = tpu.memref_slice %arg8[%dma_wait3A, %dma_wait3A_49] : memref<64x80xi32, #tpu.memory_space<vmem>> -> memref<64x80xi32, #tpu.memory_space<vmem>>
      %dma_wait3A_51 = arith.constant 0 : i32
      %dma_wait3A_52 = arith.constant 0 : i32
      %dma_wait3A_53 = tpu.memref_slice %arg3[%add3A, %dma_wait3A_51, %dma_wait3A_52] : memref<32x128x80xi32, #tpu.memory_space<hbm>> -> memref<1x64x80xi32, #tpu.memory_space<hbm>>
      %dma_wait3A_54 = tpu.memref_squeeze %dma_wait3A_53 : memref<1x64x80xi32, #tpu.memory_space<hbm>> -> memref<64x80xi32, #tpu.memory_space<hbm>>
      %dma_wait3A_55 = arith.constant 0 : i32
      %dma_wait3A_56 = arith.constant 0 : i32
      %dma_wait3A_57 = tpu.memref_slice %arg8[%dma_wait3A_55, %dma_wait3A_56] : memref<64x80xi32, #tpu.memory_space<vmem>> -> memref<64x80xi32, #tpu.memory_space<vmem>>
      %dma_wait3A_58 = arith.constant 0 : i32
      %dma_wait3A_59 = arith.constant 0 : i32
      %dma_wait3A_60 = tpu.memref_slice %arg3[%add3A, %dma_wait3A_58, %dma_wait3A_59] : memref<32x128x80xi32, #tpu.memory_space<hbm>> -> memref<1x64x80xi32, #tpu.memory_space<hbm>>
      %dma_wait3A_61 = tpu.memref_squeeze %dma_wait3A_60 : memref<1x64x80xi32, #tpu.memory_space<hbm>> -> memref<64x80xi32, #tpu.memory_space<hbm>>
      tpu.wait_dma2 semaphore(%run_scoped3A : memref<!tpu.dma_semaphore, #tpu.memory_space<semaphore_mem>>) src(%dma_wait3A_61 : memref<64x80xi32, #tpu.memory_space<hbm>>) dst(%dma_wait3A_57 : memref<64x80xi32, #tpu.memory_space<vmem>>)
      tpu.yield
    }) : () -> ()
    "tpu.region"() ({
      %run_scoped3A = tpu.sem_alloc : memref<!tpu.dma_semaphore, #tpu.memory_space<semaphore_mem>>
      %dma_start3A_35 = arith.constant 0 : i32
      %dma_start3A_36 = arith.constant 0 : i32
      %dma_start3A_37 = tpu.memref_slice %arg9[%dma_start3A_35, %dma_start3A_36] : memref<64x80xi32, #tpu.memory_space<vmem>> -> memref<64x80xi32, #tpu.memory_space<vmem>>
      %dma_start3A_38 = arith.constant 0 : i32
      %dma_start3A_39 = arith.constant 0 : i32
      %dma_start3A_40 = tpu.memref_slice %arg4[%add3A, %dma_start3A_38, %dma_start3A_39] : memref<32x128x80xi32, #tpu.memory_space<hbm>> -> memref<1x64x80xi32, #tpu.memory_space<hbm>>
      %dma_start3A_41 = tpu.memref_squeeze %dma_start3A_40 : memref<1x64x80xi32, #tpu.memory_space<hbm>> -> memref<64x80xi32, #tpu.memory_space<hbm>>
      %dma_start3A_42 = arith.constant 0 : i32
      %dma_start3A_43 = arith.constant 0 : i32
      %dma_start3A_44 = tpu.memref_slice %arg9[%dma_start3A_42, %dma_start3A_43] : memref<64x80xi32, #tpu.memory_space<vmem>> -> memref<64x80xi32, #tpu.memory_space<vmem>>
      %dma_start3A_45 = arith.constant 0 : i32
      %dma_start3A_46 = arith.constant 0 : i32
      %dma_start3A_47 = tpu.memref_slice %arg4[%add3A, %dma_start3A_45, %dma_start3A_46] : memref<32x128x80xi32, #tpu.memory_space<hbm>> -> memref<1x64x80xi32, #tpu.memory_space<hbm>>
      %dma_start3A_48 = tpu.memref_squeeze %dma_start3A_47 : memref<1x64x80xi32, #tpu.memory_space<hbm>> -> memref<64x80xi32, #tpu.memory_space<hbm>>
      tpu.enqueue_dma source(%dma_start3A_48 : memref<64x80xi32, #tpu.memory_space<hbm>>) target(%dma_start3A_44 : memref<64x80xi32, #tpu.memory_space<vmem>>) target_semaphore(%run_scoped3A : memref<!tpu.dma_semaphore, #tpu.memory_space<semaphore_mem>>)
      %dma_wait3A = arith.constant 0 : i32
      %dma_wait3A_49 = arith.constant 0 : i32
      %dma_wait3A_50 = tpu.memref_slice %arg9[%dma_wait3A, %dma_wait3A_49] : memref<64x80xi32, #tpu.memory_space<vmem>> -> memref<64x80xi32, #tpu.memory_space<vmem>>
      %dma_wait3A_51 = arith.constant 0 : i32
      %dma_wait3A_52 = arith.constant 0 : i32
      %dma_wait3A_53 = tpu.memref_slice %arg4[%add3A, %dma_wait3A_51, %dma_wait3A_52] : memref<32x128x80xi32, #tpu.memory_space<hbm>> -> memref<1x64x80xi32, #tpu.memory_space<hbm>>
      %dma_wait3A_54 = tpu.memref_squeeze %dma_wait3A_53 : memref<1x64x80xi32, #tpu.memory_space<hbm>> -> memref<64x80xi32, #tpu.memory_space<hbm>>
      %dma_wait3A_55 = arith.constant 0 : i32
      %dma_wait3A_56 = arith.constant 0 : i32
      %dma_wait3A_57 = tpu.memref_slice %arg9[%dma_wait3A_55, %dma_wait3A_56] : memref<64x80xi32, #tpu.memory_space<vmem>> -> memref<64x80xi32, #tpu.memory_space<vmem>>
      %dma_wait3A_58 = arith.constant 0 : i32
      %dma_wait3A_59 = arith.constant 0 : i32
      %dma_wait3A_60 = tpu.memref_slice %arg4[%add3A, %dma_wait3A_58, %dma_wait3A_59] : memref<32x128x80xi32, #tpu.memory_space<hbm>> -> memref<1x64x80xi32, #tpu.memory_space<hbm>>
      %dma_wait3A_61 = tpu.memref_squeeze %dma_wait3A_60 : memref<1x64x80xi32, #tpu.memory_space<hbm>> -> memref<64x80xi32, #tpu.memory_space<hbm>>
      tpu.wait_dma2 semaphore(%run_scoped3A : memref<!tpu.dma_semaphore, #tpu.memory_space<semaphore_mem>>) src(%dma_wait3A_61 : memref<64x80xi32, #tpu.memory_space<hbm>>) dst(%dma_wait3A_57 : memref<64x80xi32, #tpu.memory_space<vmem>>)
      tpu.yield
    }) : () -> ()
    %dma_start3A = arith.constant 0 : i32
    %dma_start3A_3 = arith.constant 0 : i32
    %dma_start3A_4 = tpu.memref_slice %arg8[%dma_start3A, %dma_start3A_3] : memref<64x80xi32, #tpu.memory_space<vmem>> -> memref<1x80xi32, #tpu.memory_space<vmem>>
    %dma_start3A_5 = tpu.memref_squeeze %dma_start3A_4 : memref<1x80xi32, #tpu.memory_space<vmem>> -> memref<80xi32, #tpu.memory_space<vmem>>
    %dma_start3A_6 = arith.constant 0 : i32
    %dma_start3A_7 = arith.constant 0 : i32
    %dma_start3A_8 = tpu.memref_slice %arg2[%dma_start3A_6, %dma_start3A_7] : memref<10000x128xf32, #tpu.memory_space<hbm>> -> memref<10000x128xf32, #tpu.memory_space<hbm>>
    tpu.enqueue_indirect_dma source(%dma_start3A_8 : memref<10000x128xf32, #tpu.memory_space<hbm>>) target(%arg10 : memref<80x128xf32, #tpu.memory_space<vmem>>) offsets(%dma_start3A_5 : memref<80xi32, #tpu.memory_space<vmem>>) semaphore(%arg13 : memref<!tpu.dma_semaphore, #tpu.memory_space<semaphore_mem>>)
    %scan3A = arith.constant 0 : i32
    %scan3A_9 = arith.constant 0 : i32
    %scan3A_10 = arith.constant 32 : i32
    %scan3A_11 = arith.addi %scan3A_9, %scan3A_10 : i32
    %scan3A_12 = arith.constant 1 : i32
    scf.for %scan3A_35 = %scan3A_9 to %scan3A_11 step %scan3A_12  : i32 {
      %mul3A_36 = arith.constant 2 : i32
      %mul3A_37 = arith.muli %mul3A_36, %scan3A_35 : i32
      %add3A_38 = arith.constant 1 : i32
      %add3A_39 = arith.addi %mul3A_37, %add3A_38 : i32
      %dma_start3A_40 = arith.constant 0 : i32
      %dma_start3A_41 = tpu.memref_slice %arg8[%add3A_39, %dma_start3A_40] : memref<64x80xi32, #tpu.memory_space<vmem>> -> memref<1x80xi32, #tpu.memory_space<vmem>>
      %dma_start3A_42 = tpu.memref_squeeze %dma_start3A_41 : memref<1x80xi32, #tpu.memory_space<vmem>> -> memref<80xi32, #tpu.memory_space<vmem>>
      %dma_start3A_43 = arith.constant 0 : i32
      %dma_start3A_44 = arith.constant 0 : i32
      %dma_start3A_45 = tpu.memref_slice %arg2[%dma_start3A_43, %dma_start3A_44] : memref<10000x128xf32, #tpu.memory_space<hbm>> -> memref<10000x128xf32, #tpu.memory_space<hbm>>
      tpu.enqueue_indirect_dma source(%dma_start3A_45 : memref<10000x128xf32, #tpu.memory_space<hbm>>) target(%arg11 : memref<80x128xf32, #tpu.memory_space<vmem>>) offsets(%dma_start3A_42 : memref<80xi32, #tpu.memory_space<vmem>>) semaphore(%arg14 : memref<!tpu.dma_semaphore, #tpu.memory_space<semaphore_mem>>)
      %dma_wait3A = arith.constant 0 : i32
      %dma_wait3A_46 = arith.constant 0 : i32
      %dma_wait3A_47 = tpu.memref_slice %arg8[%dma_wait3A, %dma_wait3A_46] : memref<64x80xi32, #tpu.memory_space<vmem>> -> memref<1x80xi32, #tpu.memory_space<vmem>>
      %dma_wait3A_48 = tpu.memref_squeeze %dma_wait3A_47 : memref<1x80xi32, #tpu.memory_space<vmem>> -> memref<80xi32, #tpu.memory_space<vmem>>
      %dma_wait3A_49 = arith.constant 0 : i32
      %dma_wait3A_50 = arith.constant 0 : i32
      %dma_wait3A_51 = tpu.memref_slice %arg2[%dma_wait3A_49, %dma_wait3A_50] : memref<10000x128xf32, #tpu.memory_space<hbm>> -> memref<10000x128xf32, #tpu.memory_space<hbm>>
      tpu.wait_indirect_dma semaphore(%arg13 : memref<!tpu.dma_semaphore, #tpu.memory_space<semaphore_mem>>) src(%dma_wait3A_51 : memref<10000x128xf32, #tpu.memory_space<hbm>>) dst(%arg10 : memref<80x128xf32, #tpu.memory_space<vmem>>)
      "tpu.region"() ({
        %run_scoped3A = tpu.sem_alloc : memref<!tpu.dma_semaphore, #tpu.memory_space<semaphore_mem>>
        %dma_start3A_67 = arith.constant 0 : i32
        %dma_start3A_68 = tpu.memref_slice %arg9[%mul3A_37, %dma_start3A_67] : memref<64x80xi32, #tpu.memory_space<vmem>> -> memref<1x80xi32, #tpu.memory_space<vmem>>
        %dma_start3A_69 = tpu.memref_squeeze %dma_start3A_68 : memref<1x80xi32, #tpu.memory_space<vmem>> -> memref<80xi32, #tpu.memory_space<vmem>>
        %dma_start3A_70 = arith.constant 0 : i32
        %dma_start3A_71 = arith.constant 0 : i32
        %dma_start3A_72 = tpu.memref_slice %arg12[%dma_start3A_70, %dma_start3A_71] : memref<10112x128xf32, #tpu.memory_space<vmem_shared>> -> memref<10112x128xf32, #tpu.memory_space<vmem_shared>>
        tpu.enqueue_indirect_dma source(%arg10 : memref<80x128xf32, #tpu.memory_space<vmem>>) target(%dma_start3A_72 : memref<10112x128xf32, #tpu.memory_space<vmem_shared>>) offsets(%dma_start3A_69 : memref<80xi32, #tpu.memory_space<vmem>>) semaphore(%run_scoped3A : memref<!tpu.dma_semaphore, #tpu.memory_space<semaphore_mem>>) {add = true}
        %dma_wait3A_73 = arith.constant 0 : i32
        %dma_wait3A_74 = tpu.memref_slice %arg9[%mul3A_37, %dma_wait3A_73] : memref<64x80xi32, #tpu.memory_space<vmem>> -> memref<1x80xi32, #tpu.memory_space<vmem>>
        %dma_wait3A_75 = tpu.memref_squeeze %dma_wait3A_74 : memref<1x80xi32, #tpu.memory_space<vmem>> -> memref<80xi32, #tpu.memory_space<vmem>>
        %dma_wait3A_76 = arith.constant 0 : i32
        %dma_wait3A_77 = arith.constant 0 : i32
        %dma_wait3A_78 = tpu.memref_slice %arg12[%dma_wait3A_76, %dma_wait3A_77] : memref<10112x128xf32, #tpu.memory_space<vmem_shared>> -> memref<10112x128xf32, #tpu.memory_space<vmem_shared>>
        tpu.wait_indirect_dma semaphore(%run_scoped3A : memref<!tpu.dma_semaphore, #tpu.memory_space<semaphore_mem>>) src(%arg10 : memref<80x128xf32, #tpu.memory_space<vmem>>) dst(%dma_wait3A_78 : memref<10112x128xf32, #tpu.memory_space<vmem_shared>>)
        tpu.yield
      }) : () -> ()
      %add3A_52 = arith.constant 2 : i32
      %add3A_53 = arith.addi %mul3A_37, %add3A_52 : i32
      %lt3A = arith.constant 64 : i32
      %lt3A_54 = arith.cmpi slt, %add3A_53, %lt3A : i32
      %convert_element_type3A_55 = arith.extui %lt3A_54 : i1 to i32
      %cond3A_56 = arith.constant 0 : i32
      %cond3A_57 = arith.cmpi ne, %convert_element_type3A_55, %cond3A_56 : i32
      scf.if %cond3A_57 {
        %add3A_67 = arith.constant 2 : i32
        %add3A_68 = arith.addi %mul3A_37, %add3A_67 : i32
        %dma_start3A_69 = arith.constant 0 : i32
        %dma_start3A_70 = tpu.memref_slice %arg8[%add3A_68, %dma_start3A_69] : memref<64x80xi32, #tpu.memory_space<vmem>> -> memref<1x80xi32, #tpu.memory_space<vmem>>
        %dma_start3A_71 = tpu.memref_squeeze %dma_start3A_70 : memref<1x80xi32, #tpu.memory_space<vmem>> -> memref<80xi32, #tpu.memory_space<vmem>>
        %dma_start3A_72 = arith.constant 0 : i32
        %dma_start3A_73 = arith.constant 0 : i32
        %dma_start3A_74 = tpu.memref_slice %arg2[%dma_start3A_72, %dma_start3A_73] : memref<10000x128xf32, #tpu.memory_space<hbm>> -> memref<10000x128xf32, #tpu.memory_space<hbm>>
        tpu.enqueue_indirect_dma source(%dma_start3A_74 : memref<10000x128xf32, #tpu.memory_space<hbm>>) target(%arg10 : memref<80x128xf32, #tpu.memory_space<vmem>>) offsets(%dma_start3A_71 : memref<80xi32, #tpu.memory_space<vmem>>) semaphore(%arg13 : memref<!tpu.dma_semaphore, #tpu.memory_space<semaphore_mem>>)
      } else {
      }
      %dma_wait3A_58 = arith.constant 0 : i32
      %dma_wait3A_59 = arith.constant 0 : i32
      %dma_wait3A_60 = tpu.memref_slice %arg8[%dma_wait3A_58, %dma_wait3A_59] : memref<64x80xi32, #tpu.memory_space<vmem>> -> memref<1x80xi32, #tpu.memory_space<vmem>>
      %dma_wait3A_61 = tpu.memref_squeeze %dma_wait3A_60 : memref<1x80xi32, #tpu.memory_space<vmem>> -> memref<80xi32, #tpu.memory_space<vmem>>
      %dma_wait3A_62 = arith.constant 0 : i32
      %dma_wait3A_63 = arith.constant 0 : i32
      %dma_wait3A_64 = tpu.memref_slice %arg2[%dma_wait3A_62, %dma_wait3A_63] : memref<10000x128xf32, #tpu.memory_space<hbm>> -> memref<10000x128xf32, #tpu.memory_space<hbm>>
      tpu.wait_indirect_dma semaphore(%arg14 : memref<!tpu.dma_semaphore, #tpu.memory_space<semaphore_mem>>) src(%dma_wait3A_64 : memref<10000x128xf32, #tpu.memory_space<hbm>>) dst(%arg11 : memref<80x128xf32, #tpu.memory_space<vmem>>)
      %add3A_65 = arith.constant 1 : i32
      %add3A_66 = arith.addi %mul3A_37, %add3A_65 : i32
      "tpu.region"() ({
        %run_scoped3A = tpu.sem_alloc : memref<!tpu.dma_semaphore, #tpu.memory_space<semaphore_mem>>
        %dma_start3A_67 = arith.constant 0 : i32
        %dma_start3A_68 = tpu.memref_slice %arg9[%add3A_66, %dma_start3A_67] : memref<64x80xi32, #tpu.memory_space<vmem>> -> memref<1x80xi32, #tpu.memory_space<vmem>>
        %dma_start3A_69 = tpu.memref_squeeze %dma_start3A_68 : memref<1x80xi32, #tpu.memory_space<vmem>> -> memref<80xi32, #tpu.memory_space<vmem>>
        %dma_start3A_70 = arith.constant 0 : i32
        %dma_start3A_71 = arith.constant 0 : i32
        %dma_start3A_72 = tpu.memref_slice %arg12[%dma_start3A_70, %dma_start3A_71] : memref<10112x128xf32, #tpu.memory_space<vmem_shared>> -> memref<10112x128xf32, #tpu.memory_space<vmem_shared>>
        tpu.enqueue_indirect_dma source(%arg11 : memref<80x128xf32, #tpu.memory_space<vmem>>) target(%dma_start3A_72 : memref<10112x128xf32, #tpu.memory_space<vmem_shared>>) offsets(%dma_start3A_69 : memref<80xi32, #tpu.memory_space<vmem>>) semaphore(%run_scoped3A : memref<!tpu.dma_semaphore, #tpu.memory_space<semaphore_mem>>) {add = true}
        %dma_wait3A_73 = arith.constant 0 : i32
        %dma_wait3A_74 = tpu.memref_slice %arg9[%add3A_66, %dma_wait3A_73] : memref<64x80xi32, #tpu.memory_space<vmem>> -> memref<1x80xi32, #tpu.memory_space<vmem>>
        %dma_wait3A_75 = tpu.memref_squeeze %dma_wait3A_74 : memref<1x80xi32, #tpu.memory_space<vmem>> -> memref<80xi32, #tpu.memory_space<vmem>>
        %dma_wait3A_76 = arith.constant 0 : i32
        %dma_wait3A_77 = arith.constant 0 : i32
        %dma_wait3A_78 = tpu.memref_slice %arg12[%dma_wait3A_76, %dma_wait3A_77] : memref<10112x128xf32, #tpu.memory_space<vmem_shared>> -> memref<10112x128xf32, #tpu.memory_space<vmem_shared>>
        tpu.wait_indirect_dma semaphore(%run_scoped3A : memref<!tpu.dma_semaphore, #tpu.memory_space<semaphore_mem>>) src(%arg11 : memref<80x128xf32, #tpu.memory_space<vmem>>) dst(%dma_wait3A_78 : memref<10112x128xf32, #tpu.memory_space<vmem_shared>>)
        tpu.yield
      }) : () -> ()
    }
    %scan3A_13 = arith.constant 32 : i32
    "tpu.region"() ({
      %run_scoped3A = tpu.sem_alloc : memref<!tpu.dma_semaphore, #tpu.memory_space<semaphore_mem>>
      %dma_start3A_35 = arith.constant 0 : i32
      %dma_start3A_36 = arith.constant 0 : i32
      %dma_start3A_37 = tpu.memref_slice %arg8[%dma_start3A_35, %dma_start3A_36] : memref<64x80xi32, #tpu.memory_space<vmem>> -> memref<64x80xi32, #tpu.memory_space<vmem>>
      %dma_start3A_38 = arith.constant 64 : i32
      %dma_start3A_39 = arith.constant 0 : i32
      %dma_start3A_40 = tpu.memref_slice %arg3[%add3A, %dma_start3A_38, %dma_start3A_39] : memref<32x128x80xi32, #tpu.memory_space<hbm>> -> memref<1x64x80xi32, #tpu.memory_space<hbm>>
      %dma_start3A_41 = tpu.memref_squeeze %dma_start3A_40 : memref<1x64x80xi32, #tpu.memory_space<hbm>> -> memref<64x80xi32, #tpu.memory_space<hbm>>
      %dma_start3A_42 = arith.constant 0 : i32
      %dma_start3A_43 = arith.constant 0 : i32
      %dma_start3A_44 = tpu.memref_slice %arg8[%dma_start3A_42, %dma_start3A_43] : memref<64x80xi32, #tpu.memory_space<vmem>> -> memref<64x80xi32, #tpu.memory_space<vmem>>
      %dma_start3A_45 = arith.constant 64 : i32
      %dma_start3A_46 = arith.constant 0 : i32
      %dma_start3A_47 = tpu.memref_slice %arg3[%add3A, %dma_start3A_45, %dma_start3A_46] : memref<32x128x80xi32, #tpu.memory_space<hbm>> -> memref<1x64x80xi32, #tpu.memory_space<hbm>>
      %dma_start3A_48 = tpu.memref_squeeze %dma_start3A_47 : memref<1x64x80xi32, #tpu.memory_space<hbm>> -> memref<64x80xi32, #tpu.memory_space<hbm>>
      tpu.enqueue_dma source(%dma_start3A_48 : memref<64x80xi32, #tpu.memory_space<hbm>>) target(%dma_start3A_44 : memref<64x80xi32, #tpu.memory_space<vmem>>) target_semaphore(%run_scoped3A : memref<!tpu.dma_semaphore, #tpu.memory_space<semaphore_mem>>)
      %dma_wait3A = arith.constant 0 : i32
      %dma_wait3A_49 = arith.constant 0 : i32
      %dma_wait3A_50 = tpu.memref_slice %arg8[%dma_wait3A, %dma_wait3A_49] : memref<64x80xi32, #tpu.memory_space<vmem>> -> memref<64x80xi32, #tpu.memory_space<vmem>>
      %dma_wait3A_51 = arith.constant 64 : i32
      %dma_wait3A_52 = arith.constant 0 : i32
      %dma_wait3A_53 = tpu.memref_slice %arg3[%add3A, %dma_wait3A_51, %dma_wait3A_52] : memref<32x128x80xi32, #tpu.memory_space<hbm>> -> memref<1x64x80xi32, #tpu.memory_space<hbm>>
      %dma_wait3A_54 = tpu.memref_squeeze %dma_wait3A_53 : memref<1x64x80xi32, #tpu.memory_space<hbm>> -> memref<64x80xi32, #tpu.memory_space<hbm>>
      %dma_wait3A_55 = arith.constant 0 : i32
      %dma_wait3A_56 = arith.constant 0 : i32
      %dma_wait3A_57 = tpu.memref_slice %arg8[%dma_wait3A_55, %dma_wait3A_56] : memref<64x80xi32, #tpu.memory_space<vmem>> -> memref<64x80xi32, #tpu.memory_space<vmem>>
      %dma_wait3A_58 = arith.constant 64 : i32
      %dma_wait3A_59 = arith.constant 0 : i32
      %dma_wait3A_60 = tpu.memref_slice %arg3[%add3A, %dma_wait3A_58, %dma_wait3A_59] : memref<32x128x80xi32, #tpu.memory_space<hbm>> -> memref<1x64x80xi32, #tpu.memory_space<hbm>>
      %dma_wait3A_61 = tpu.memref_squeeze %dma_wait3A_60 : memref<1x64x80xi32, #tpu.memory_space<hbm>> -> memref<64x80xi32, #tpu.memory_space<hbm>>
      tpu.wait_dma2 semaphore(%run_scoped3A : memref<!tpu.dma_semaphore, #tpu.memory_space<semaphore_mem>>) src(%dma_wait3A_61 : memref<64x80xi32, #tpu.memory_space<hbm>>) dst(%dma_wait3A_57 : memref<64x80xi32, #tpu.memory_space<vmem>>)
      tpu.yield
    }) : () -> ()
    "tpu.region"() ({
      %run_scoped3A = tpu.sem_alloc : memref<!tpu.dma_semaphore, #tpu.memory_space<semaphore_mem>>
      %dma_start3A_35 = arith.constant 0 : i32
      %dma_start3A_36 = arith.constant 0 : i32
      %dma_start3A_37 = tpu.memref_slice %arg9[%dma_start3A_35, %dma_start3A_36] : memref<64x80xi32, #tpu.memory_space<vmem>> -> memref<64x80xi32, #tpu.memory_space<vmem>>
      %dma_start3A_38 = arith.constant 64 : i32
      %dma_start3A_39 = arith.constant 0 : i32
      %dma_start3A_40 = tpu.memref_slice %arg4[%add3A, %dma_start3A_38, %dma_start3A_39] : memref<32x128x80xi32, #tpu.memory_space<hbm>> -> memref<1x64x80xi32, #tpu.memory_space<hbm>>
      %dma_start3A_41 = tpu.memref_squeeze %dma_start3A_40 : memref<1x64x80xi32, #tpu.memory_space<hbm>> -> memref<64x80xi32, #tpu.memory_space<hbm>>
      %dma_start3A_42 = arith.constant 0 : i32
      %dma_start3A_43 = arith.constant 0 : i32
      %dma_start3A_44 = tpu.memref_slice %arg9[%dma_start3A_42, %dma_start3A_43] : memref<64x80xi32, #tpu.memory_space<vmem>> -> memref<64x80xi32, #tpu.memory_space<vmem>>
      %dma_start3A_45 = arith.constant 64 : i32
      %dma_start3A_46 = arith.constant 0 : i32
      %dma_start3A_47 = tpu.memref_slice %arg4[%add3A, %dma_start3A_45, %dma_start3A_46] : memref<32x128x80xi32, #tpu.memory_space<hbm>> -> memref<1x64x80xi32, #tpu.memory_space<hbm>>
      %dma_start3A_48 = tpu.memref_squeeze %dma_start3A_47 : memref<1x64x80xi32, #tpu.memory_space<hbm>> -> memref<64x80xi32, #tpu.memory_space<hbm>>
      tpu.enqueue_dma source(%dma_start3A_48 : memref<64x80xi32, #tpu.memory_space<hbm>>) target(%dma_start3A_44 : memref<64x80xi32, #tpu.memory_space<vmem>>) target_semaphore(%run_scoped3A : memref<!tpu.dma_semaphore, #tpu.memory_space<semaphore_mem>>)
      %dma_wait3A = arith.constant 0 : i32
      %dma_wait3A_49 = arith.constant 0 : i32
      %dma_wait3A_50 = tpu.memref_slice %arg9[%dma_wait3A, %dma_wait3A_49] : memref<64x80xi32, #tpu.memory_space<vmem>> -> memref<64x80xi32, #tpu.memory_space<vmem>>
      %dma_wait3A_51 = arith.constant 64 : i32
      %dma_wait3A_52 = arith.constant 0 : i32
      %dma_wait3A_53 = tpu.memref_slice %arg4[%add3A, %dma_wait3A_51, %dma_wait3A_52] : memref<32x128x80xi32, #tpu.memory_space<hbm>> -> memref<1x64x80xi32, #tpu.memory_space<hbm>>
      %dma_wait3A_54 = tpu.memref_squeeze %dma_wait3A_53 : memref<1x64x80xi32, #tpu.memory_space<hbm>> -> memref<64x80xi32, #tpu.memory_space<hbm>>
      %dma_wait3A_55 = arith.constant 0 : i32
      %dma_wait3A_56 = arith.constant 0 : i32
      %dma_wait3A_57 = tpu.memref_slice %arg9[%dma_wait3A_55, %dma_wait3A_56] : memref<64x80xi32, #tpu.memory_space<vmem>> -> memref<64x80xi32, #tpu.memory_space<vmem>>
      %dma_wait3A_58 = arith.constant 64 : i32
      %dma_wait3A_59 = arith.constant 0 : i32
      %dma_wait3A_60 = tpu.memref_slice %arg4[%add3A, %dma_wait3A_58, %dma_wait3A_59] : memref<32x128x80xi32, #tpu.memory_space<hbm>> -> memref<1x64x80xi32, #tpu.memory_space<hbm>>
      %dma_wait3A_61 = tpu.memref_squeeze %dma_wait3A_60 : memref<1x64x80xi32, #tpu.memory_space<hbm>> -> memref<64x80xi32, #tpu.memory_space<hbm>>
      tpu.wait_dma2 semaphore(%run_scoped3A : memref<!tpu.dma_semaphore, #tpu.memory_space<semaphore_mem>>) src(%dma_wait3A_61 : memref<64x80xi32, #tpu.memory_space<hbm>>) dst(%dma_wait3A_57 : memref<64x80xi32, #tpu.memory_space<vmem>>)
      tpu.yield
    }) : () -> ()
    %dma_start3A_14 = arith.constant 0 : i32
    %dma_start3A_15 = arith.constant 0 : i32
    %dma_start3A_16 = tpu.memref_slice %arg8[%dma_start3A_14, %dma_start3A_15] : memref<64x80xi32, #tpu.memory_space<vmem>> -> memref<1x80xi32, #tpu.memory_space<vmem>>
    %dma_start3A_17 = tpu.memref_squeeze %dma_start3A_16 : memref<1x80xi32, #tpu.memory_space<vmem>> -> memref<80xi32, #tpu.memory_space<vmem>>
    %dma_start3A_18 = arith.constant 0 : i32
    %dma_start3A_19 = arith.constant 0 : i32
    %dma_start3A_20 = tpu.memref_slice %arg2[%dma_start3A_18, %dma_start3A_19] : memref<10000x128xf32, #tpu.memory_space<hbm>> -> memref<10000x128xf32, #tpu.memory_space<hbm>>
    tpu.enqueue_indirect_dma source(%dma_start3A_20 : memref<10000x128xf32, #tpu.memory_space<hbm>>) target(%arg10 : memref<80x128xf32, #tpu.memory_space<vmem>>) offsets(%dma_start3A_17 : memref<80xi32, #tpu.memory_space<vmem>>) semaphore(%arg13 : memref<!tpu.dma_semaphore, #tpu.memory_space<semaphore_mem>>)
    %scan3A_21 = arith.constant 0 : i32
    %scan3A_22 = arith.constant 0 : i32
    %scan3A_23 = arith.constant 32 : i32
    %scan3A_24 = arith.addi %scan3A_22, %scan3A_23 : i32
    %scan3A_25 = arith.constant 1 : i32
    scf.for %scan3A_35 = %scan3A_22 to %scan3A_24 step %scan3A_25  : i32 {
      %mul3A_36 = arith.constant 2 : i32
      %mul3A_37 = arith.muli %mul3A_36, %scan3A_35 : i32
      %add3A_38 = arith.constant 1 : i32
      %add3A_39 = arith.addi %mul3A_37, %add3A_38 : i32
      %dma_start3A_40 = arith.constant 0 : i32
      %dma_start3A_41 = tpu.memref_slice %arg8[%add3A_39, %dma_start3A_40] : memref<64x80xi32, #tpu.memory_space<vmem>> -> memref<1x80xi32, #tpu.memory_space<vmem>>
      %dma_start3A_42 = tpu.memref_squeeze %dma_start3A_41 : memref<1x80xi32, #tpu.memory_space<vmem>> -> memref<80xi32, #tpu.memory_space<vmem>>
      %dma_start3A_43 = arith.constant 0 : i32
      %dma_start3A_44 = arith.constant 0 : i32
      %dma_start3A_45 = tpu.memref_slice %arg2[%dma_start3A_43, %dma_start3A_44] : memref<10000x128xf32, #tpu.memory_space<hbm>> -> memref<10000x128xf32, #tpu.memory_space<hbm>>
      tpu.enqueue_indirect_dma source(%dma_start3A_45 : memref<10000x128xf32, #tpu.memory_space<hbm>>) target(%arg11 : memref<80x128xf32, #tpu.memory_space<vmem>>) offsets(%dma_start3A_42 : memref<80xi32, #tpu.memory_space<vmem>>) semaphore(%arg14 : memref<!tpu.dma_semaphore, #tpu.memory_space<semaphore_mem>>)
      %dma_wait3A = arith.constant 0 : i32
      %dma_wait3A_46 = arith.constant 0 : i32
      %dma_wait3A_47 = tpu.memref_slice %arg8[%dma_wait3A, %dma_wait3A_46] : memref<64x80xi32, #tpu.memory_space<vmem>> -> memref<1x80xi32, #tpu.memory_space<vmem>>
      %dma_wait3A_48 = tpu.memref_squeeze %dma_wait3A_47 : memref<1x80xi32, #tpu.memory_space<vmem>> -> memref<80xi32, #tpu.memory_space<vmem>>
      %dma_wait3A_49 = arith.constant 0 : i32
      %dma_wait3A_50 = arith.constant 0 : i32
      %dma_wait3A_51 = tpu.memref_slice %arg2[%dma_wait3A_49, %dma_wait3A_50] : memref<10000x128xf32, #tpu.memory_space<hbm>> -> memref<10000x128xf32, #tpu.memory_space<hbm>>
      tpu.wait_indirect_dma semaphore(%arg13 : memref<!tpu.dma_semaphore, #tpu.memory_space<semaphore_mem>>) src(%dma_wait3A_51 : memref<10000x128xf32, #tpu.memory_space<hbm>>) dst(%arg10 : memref<80x128xf32, #tpu.memory_space<vmem>>)
      "tpu.region"() ({
        %run_scoped3A = tpu.sem_alloc : memref<!tpu.dma_semaphore, #tpu.memory_space<semaphore_mem>>
        %dma_start3A_67 = arith.constant 0 : i32
        %dma_start3A_68 = tpu.memref_slice %arg9[%mul3A_37, %dma_start3A_67] : memref<64x80xi32, #tpu.memory_space<vmem>> -> memref<1x80xi32, #tpu.memory_space<vmem>>
        %dma_start3A_69 = tpu.memref_squeeze %dma_start3A_68 : memref<1x80xi32, #tpu.memory_space<vmem>> -> memref<80xi32, #tpu.memory_space<vmem>>
        %dma_start3A_70 = arith.constant 0 : i32
        %dma_start3A_71 = arith.constant 0 : i32
        %dma_start3A_72 = tpu.memref_slice %arg12[%dma_start3A_70, %dma_start3A_71] : memref<10112x128xf32, #tpu.memory_space<vmem_shared>> -> memref<10112x128xf32, #tpu.memory_space<vmem_shared>>
        tpu.enqueue_indirect_dma source(%arg10 : memref<80x128xf32, #tpu.memory_space<vmem>>) target(%dma_start3A_72 : memref<10112x128xf32, #tpu.memory_space<vmem_shared>>) offsets(%dma_start3A_69 : memref<80xi32, #tpu.memory_space<vmem>>) semaphore(%run_scoped3A : memref<!tpu.dma_semaphore, #tpu.memory_space<semaphore_mem>>) {add = true}
        %dma_wait3A_73 = arith.constant 0 : i32
        %dma_wait3A_74 = tpu.memref_slice %arg9[%mul3A_37, %dma_wait3A_73] : memref<64x80xi32, #tpu.memory_space<vmem>> -> memref<1x80xi32, #tpu.memory_space<vmem>>
        %dma_wait3A_75 = tpu.memref_squeeze %dma_wait3A_74 : memref<1x80xi32, #tpu.memory_space<vmem>> -> memref<80xi32, #tpu.memory_space<vmem>>
        %dma_wait3A_76 = arith.constant 0 : i32
        %dma_wait3A_77 = arith.constant 0 : i32
        %dma_wait3A_78 = tpu.memref_slice %arg12[%dma_wait3A_76, %dma_wait3A_77] : memref<10112x128xf32, #tpu.memory_space<vmem_shared>> -> memref<10112x128xf32, #tpu.memory_space<vmem_shared>>
        tpu.wait_indirect_dma semaphore(%run_scoped3A : memref<!tpu.dma_semaphore, #tpu.memory_space<semaphore_mem>>) src(%arg10 : memref<80x128xf32, #tpu.memory_space<vmem>>) dst(%dma_wait3A_78 : memref<10112x128xf32, #tpu.memory_space<vmem_shared>>)
        tpu.yield
      }) : () -> ()
      %add3A_52 = arith.constant 2 : i32
      %add3A_53 = arith.addi %mul3A_37, %add3A_52 : i32
      %lt3A = arith.constant 64 : i32
      %lt3A_54 = arith.cmpi slt, %add3A_53, %lt3A : i32
      %convert_element_type3A_55 = arith.extui %lt3A_54 : i1 to i32
      %cond3A_56 = arith.constant 0 : i32
      %cond3A_57 = arith.cmpi ne, %convert_element_type3A_55, %cond3A_56 : i32
      scf.if %cond3A_57 {
        %add3A_67 = arith.constant 2 : i32
        %add3A_68 = arith.addi %mul3A_37, %add3A_67 : i32
        %dma_start3A_69 = arith.constant 0 : i32
        %dma_start3A_70 = tpu.memref_slice %arg8[%add3A_68, %dma_start3A_69] : memref<64x80xi32, #tpu.memory_space<vmem>> -> memref<1x80xi32, #tpu.memory_space<vmem>>
        %dma_start3A_71 = tpu.memref_squeeze %dma_start3A_70 : memref<1x80xi32, #tpu.memory_space<vmem>> -> memref<80xi32, #tpu.memory_space<vmem>>
        %dma_start3A_72 = arith.constant 0 : i32
        %dma_start3A_73 = arith.constant 0 : i32
        %dma_start3A_74 = tpu.memref_slice %arg2[%dma_start3A_72, %dma_start3A_73] : memref<10000x128xf32, #tpu.memory_space<hbm>> -> memref<10000x128xf32, #tpu.memory_space<hbm>>
        tpu.enqueue_indirect_dma source(%dma_start3A_74 : memref<10000x128xf32, #tpu.memory_space<hbm>>) target(%arg10 : memref<80x128xf32, #tpu.memory_space<vmem>>) offsets(%dma_start3A_71 : memref<80xi32, #tpu.memory_space<vmem>>) semaphore(%arg13 : memref<!tpu.dma_semaphore, #tpu.memory_space<semaphore_mem>>)
      } else {
      }
      %dma_wait3A_58 = arith.constant 0 : i32
      %dma_wait3A_59 = arith.constant 0 : i32
      %dma_wait3A_60 = tpu.memref_slice %arg8[%dma_wait3A_58, %dma_wait3A_59] : memref<64x80xi32, #tpu.memory_space<vmem>> -> memref<1x80xi32, #tpu.memory_space<vmem>>
      %dma_wait3A_61 = tpu.memref_squeeze %dma_wait3A_60 : memref<1x80xi32, #tpu.memory_space<vmem>> -> memref<80xi32, #tpu.memory_space<vmem>>
      %dma_wait3A_62 = arith.constant 0 : i32
      %dma_wait3A_63 = arith.constant 0 : i32
      %dma_wait3A_64 = tpu.memref_slice %arg2[%dma_wait3A_62, %dma_wait3A_63] : memref<10000x128xf32, #tpu.memory_space<hbm>> -> memref<10000x128xf32, #tpu.memory_space<hbm>>
      tpu.wait_indirect_dma semaphore(%arg14 : memref<!tpu.dma_semaphore, #tpu.memory_space<semaphore_mem>>) src(%dma_wait3A_64 : memref<10000x128xf32, #tpu.memory_space<hbm>>) dst(%arg11 : memref<80x128xf32, #tpu.memory_space<vmem>>)
      %add3A_65 = arith.constant 1 : i32
      %add3A_66 = arith.addi %mul3A_37, %add3A_65 : i32
      "tpu.region"() ({
        %run_scoped3A = tpu.sem_alloc : memref<!tpu.dma_semaphore, #tpu.memory_space<semaphore_mem>>
        %dma_start3A_67 = arith.constant 0 : i32
        %dma_start3A_68 = tpu.memref_slice %arg9[%add3A_66, %dma_start3A_67] : memref<64x80xi32, #tpu.memory_space<vmem>> -> memref<1x80xi32, #tpu.memory_space<vmem>>
        %dma_start3A_69 = tpu.memref_squeeze %dma_start3A_68 : memref<1x80xi32, #tpu.memory_space<vmem>> -> memref<80xi32, #tpu.memory_space<vmem>>
        %dma_start3A_70 = arith.constant 0 : i32
        %dma_start3A_71 = arith.constant 0 : i32
        %dma_start3A_72 = tpu.memref_slice %arg12[%dma_start3A_70, %dma_start3A_71] : memref<10112x128xf32, #tpu.memory_space<vmem_shared>> -> memref<10112x128xf32, #tpu.memory_space<vmem_shared>>
        tpu.enqueue_indirect_dma source(%arg11 : memref<80x128xf32, #tpu.memory_space<vmem>>) target(%dma_start3A_72 : memref<10112x128xf32, #tpu.memory_space<vmem_shared>>) offsets(%dma_start3A_69 : memref<80xi32, #tpu.memory_space<vmem>>) semaphore(%run_scoped3A : memref<!tpu.dma_semaphore, #tpu.memory_space<semaphore_mem>>) {add = true}
        %dma_wait3A_73 = arith.constant 0 : i32
        %dma_wait3A_74 = tpu.memref_slice %arg9[%add3A_66, %dma_wait3A_73] : memref<64x80xi32, #tpu.memory_space<vmem>> -> memref<1x80xi32, #tpu.memory_space<vmem>>
        %dma_wait3A_75 = tpu.memref_squeeze %dma_wait3A_74 : memref<1x80xi32, #tpu.memory_space<vmem>> -> memref<80xi32, #tpu.memory_space<vmem>>
        %dma_wait3A_76 = arith.constant 0 : i32
        %dma_wait3A_77 = arith.constant 0 : i32
        %dma_wait3A_78 = tpu.memref_slice %arg12[%dma_wait3A_76, %dma_wait3A_77] : memref<10112x128xf32, #tpu.memory_space<vmem_shared>> -> memref<10112x128xf32, #tpu.memory_space<vmem_shared>>
        tpu.wait_indirect_dma semaphore(%run_scoped3A : memref<!tpu.dma_semaphore, #tpu.memory_space<semaphore_mem>>) src(%arg11 : memref<80x128xf32, #tpu.memory_space<vmem>>) dst(%dma_wait3A_78 : memref<10112x128xf32, #tpu.memory_space<vmem_shared>>)
        tpu.yield
      }) : () -> ()
    }
    %scan3A_26 = arith.constant 32 : i32
    %barrier3A_27 = arith.constant 0 : index
    tpu.barrier barrier_id(%barrier3A_27)
    %eq3A = arith.constant 0 : i32
    %eq3A_28 = arith.cmpi eq, %arg0, %eq3A : i32
    %convert_element_type3A = arith.extui %eq3A_28 : i1 to i32
    %cond3A = arith.constant 0 : i32
    %cond3A_29 = arith.cmpi ne, %convert_element_type3A, %cond3A : i32
    scf.if %cond3A_29 {
      "tpu.region"() ({
        %run_scoped3A = tpu.sem_alloc : memref<!tpu.dma_semaphore, #tpu.memory_space<semaphore_mem>>
        %dma_start3A_35 = arith.constant 0 : i32
        %dma_start3A_36 = tpu.memref_slice %arg6[%mul3A_2, %dma_start3A_35] : memref<10112x128xf32, #tpu.memory_space<hbm>> -> memref<632x128xf32, #tpu.memory_space<hbm>>
        %dma_start3A_37 = arith.constant 0 : i32
        %dma_start3A_38 = tpu.memref_slice %arg12[%mul3A_2, %dma_start3A_37] : memref<10112x128xf32, #tpu.memory_space<vmem_shared>> -> memref<632x128xf32, #tpu.memory_space<vmem_shared>>
        tpu.enqueue_dma source(%dma_start3A_38 : memref<632x128xf32, #tpu.memory_space<vmem_shared>>) target(%dma_start3A_36 : memref<632x128xf32, #tpu.memory_space<hbm>>) target_semaphore(%run_scoped3A : memref<!tpu.dma_semaphore, #tpu.memory_space<semaphore_mem>>)
        %dma_wait3A = arith.constant 0 : i32
        %dma_wait3A_39 = tpu.memref_slice %arg6[%mul3A_2, %dma_wait3A] : memref<10112x128xf32, #tpu.memory_space<hbm>> -> memref<632x128xf32, #tpu.memory_space<hbm>>
        %dma_wait3A_40 = arith.constant 0 : i32
        %dma_wait3A_41 = tpu.memref_slice %arg12[%mul3A_2, %dma_wait3A_40] : memref<10112x128xf32, #tpu.memory_space<vmem_shared>> -> memref<632x128xf32, #tpu.memory_space<vmem_shared>>
        tpu.wait_dma2 semaphore(%run_scoped3A : memref<!tpu.dma_semaphore, #tpu.memory_space<semaphore_mem>>) src(%dma_wait3A_41 : memref<632x128xf32, #tpu.memory_space<vmem_shared>>) dst(%dma_wait3A_39 : memref<632x128xf32, #tpu.memory_space<hbm>>)
        tpu.yield
      }) : () -> ()
    } else {
    }
    %eq3A_30 = arith.constant 1 : i32
    %eq3A_31 = arith.cmpi eq, %arg0, %eq3A_30 : i32
    %convert_element_type3A_32 = arith.extui %eq3A_31 : i1 to i32
    %cond3A_33 = arith.constant 0 : i32
    %cond3A_34 = arith.cmpi ne, %convert_element_type3A_32, %cond3A_33 : i32
    scf.if %cond3A_34 {
      "tpu.region"() ({
        %run_scoped3A = tpu.sem_alloc : memref<!tpu.dma_semaphore, #tpu.memory_space<semaphore_mem>>
        %dma_start3A_35 = arith.constant 0 : i32
        %dma_start3A_36 = tpu.memref_slice %arg7[%mul3A_2, %dma_start3A_35] : memref<10112x128xf32, #tpu.memory_space<hbm>> -> memref<632x128xf32, #tpu.memory_space<hbm>>
        %dma_start3A_37 = arith.constant 0 : i32
        %dma_start3A_38 = tpu.memref_slice %arg12[%mul3A_2, %dma_start3A_37] : memref<10112x128xf32, #tpu.memory_space<vmem_shared>> -> memref<632x128xf32, #tpu.memory_space<vmem_shared>>
        tpu.enqueue_dma source(%dma_start3A_38 : memref<632x128xf32, #tpu.memory_space<vmem_shared>>) target(%dma_start3A_36 : memref<632x128xf32, #tpu.memory_space<hbm>>) target_semaphore(%run_scoped3A : memref<!tpu.dma_semaphore, #tpu.memory_space<semaphore_mem>>)
        %dma_wait3A = arith.constant 0 : i32
        %dma_wait3A_39 = tpu.memref_slice %arg7[%mul3A_2, %dma_wait3A] : memref<10112x128xf32, #tpu.memory_space<hbm>> -> memref<632x128xf32, #tpu.memory_space<hbm>>
        %dma_wait3A_40 = arith.constant 0 : i32
        %dma_wait3A_41 = tpu.memref_slice %arg12[%mul3A_2, %dma_wait3A_40] : memref<10112x128xf32, #tpu.memory_space<vmem_shared>> -> memref<632x128xf32, #tpu.memory_space<vmem_shared>>
        tpu.wait_dma2 semaphore(%run_scoped3A : memref<!tpu.dma_semaphore, #tpu.memory_space<semaphore_mem>>) src(%dma_wait3A_41 : memref<632x128xf32, #tpu.memory_space<vmem_shared>>) dst(%dma_wait3A_39 : memref<632x128xf32, #tpu.memory_space<hbm>>)
        tpu.yield
      }) : () -> ()
    } else {
    }
    return
  }
}

#map = affine_map<(d0, d1) -> (0, 0)>
#map1 = affine_map<(d0, d1) -> (0, 0, 0)>
module attributes {stable_mosaic.version = 14 : i64} {
  func.func @_spmm_body(%arg0: i32, %arg1: i32, %arg2: memref<10000x128xf32, #tpu.memory_space<hbm>>, %arg3: memref<32x128x80xi32, #tpu.memory_space<hbm>>, %arg4: memref<32x128x80xi32, #tpu.memory_space<hbm>>, %arg5: memref<10112x128xf32, #tpu.memory_space<hbm>>, %arg6: memref<10112x128xf32, #tpu.memory_space<hbm>>, %arg7: memref<10112x128xf32, #tpu.memory_space<hbm>>, %arg8: memref<64x80xi32, #tpu.memory_space<vmem>>, %arg9: memref<64x80xi32, #tpu.memory_space<vmem>>, %arg10: memref<80x128xf32, #tpu.memory_space<vmem>>, %arg11: memref<80x128xf32, #tpu.memory_space<vmem>>, %arg12: memref<10112x128xf32, #tpu.memory_space<vmem_shared>>, %arg13: memref<!tpu.dma_semaphore, #tpu.memory_space<semaphore_mem>>, %arg14: memref<!tpu.dma_semaphore, #tpu.memory_space<semaphore_mem>>) attributes {dimension_semantics = [#tpu.dimension_semantics<core_parallel>, #tpu.dimension_semantics<subcore_parallel>], iteration_bounds = array<i64: 2, 16>, scalar_prefetch = 0 : i64, scratch_operands = 7 : i64, tpu.core_type = #tpu.core_type<sc_vector_subcore>, window_params = [{transform_indices = #map}, {transform_indices = #map1}, {transform_indices = #map1}, {transform_indices = #map}, {transform_indices = #map}, {transform_indices = #map}]} {
    %mul3A = arith.constant 16 : i32
    %mul3A_0 = arith.muli %arg0, %mul3A : i32
    %add3A = arith.addi %mul3A_0, %arg1 : i32
    %mul3A_1 = arith.constant 632 : i32
    %mul3A_2 = arith.muli %arg1, %mul3A_1 : i32
    "tpu.region"() ({
      %run_scoped3A = tpu.sem_alloc : memref<!tpu.dma_semaphore, #tpu.memory_space<semaphore_mem>>
      %dma_start3A_35 = arith.constant 0 : i32
      %dma_start3A_36 = tpu.memref_slice %arg12[%mul3A_2, %dma_start3A_35] : memref<10112x128xf32, #tpu.memory_space<vmem_shared>> -> memref<632x128xf32, #tpu.memory_space<vmem_shared>>
      %dma_start3A_37 = arith.constant 0 : i32
      %dma_start3A_38 = tpu.memref_slice %arg5[%mul3A_2, %dma_start3A_37] : memref<10112x128xf32, #tpu.memory_space<hbm>> -> memref<632x128xf32, #tpu.memory_space<hbm>>
      tpu.enqueue_dma source(%dma_start3A_38 : memref<632x128xf32, #tpu.memory_space<hbm>>) target(%dma_start3A_36 : memref<632x128xf32, #tpu.memory_space<vmem_shared>>) target_semaphore(%run_scoped3A : memref<!tpu.dma_semaphore, #tpu.memory_space<semaphore_mem>>)
      %dma_wait3A = arith.constant 0 : i32
      %dma_wait3A_39 = tpu.memref_slice %arg12[%mul3A_2, %dma_wait3A] : memref<10112x128xf32, #tpu.memory_space<vmem_shared>> -> memref<632x128xf32, #tpu.memory_space<vmem_shared>>
      %dma_wait3A_40 = arith.constant 0 : i32
      %dma_wait3A_41 = tpu.memref_slice %arg5[%mul3A_2, %dma_wait3A_40] : memref<10112x128xf32, #tpu.memory_space<hbm>> -> memref<632x128xf32, #tpu.memory_space<hbm>>
      tpu.wait_dma2 semaphore(%run_scoped3A : memref<!tpu.dma_semaphore, #tpu.memory_space<semaphore_mem>>) src(%dma_wait3A_41 : memref<632x128xf32, #tpu.memory_space<hbm>>) dst(%dma_wait3A_39 : memref<632x128xf32, #tpu.memory_space<vmem_shared>>)
      tpu.yield
    }) : () -> ()
    %barrier3A = arith.constant 0 : index
    tpu.barrier barrier_id(%barrier3A)
    "tpu.region"() ({
      %run_scoped3A = tpu.sem_alloc : memref<!tpu.dma_semaphore, #tpu.memory_space<semaphore_mem>>
      %dma_start3A_35 = arith.constant 0 : i32
      %dma_start3A_36 = arith.constant 0 : i32
      %dma_start3A_37 = tpu.memref_slice %arg8[%dma_start3A_35, %dma_start3A_36] : memref<64x80xi32, #tpu.memory_space<vmem>> -> memref<64x80xi32, #tpu.memory_space<vmem>>
      %dma_start3A_38 = arith.constant 0 : i32
      %dma_start3A_39 = arith.constant 0 : i32
      %dma_start3A_40 = tpu.memref_slice %arg3[%add3A, %dma_start3A_38, %dma_start3A_39] : memref<32x128x80xi32, #tpu.memory_space<hbm>> -> memref<1x64x80xi32, #tpu.memory_space<hbm>>
      %dma_start3A_41 = tpu.memref_squeeze %dma_start3A_40 : memref<1x64x80xi32, #tpu.memory_space<hbm>> -> memref<64x80xi32, #tpu.memory_space<hbm>>
      %dma_start3A_42 = arith.constant 0 : i32
      %dma_start3A_43 = arith.constant 0 : i32
      %dma_start3A_44 = tpu.memref_slice %arg8[%dma_start3A_42, %dma_start3A_43] : memref<64x80xi32, #tpu.memory_space<vmem>> -> memref<64x80xi32, #tpu.memory_space<vmem>>
      %dma_start3A_45 = arith.constant 0 : i32
      %dma_start3A_46 = arith.constant 0 : i32
      %dma_start3A_47 = tpu.memref_slice %arg3[%add3A, %dma_start3A_45, %dma_start3A_46] : memref<32x128x80xi32, #tpu.memory_space<hbm>> -> memref<1x64x80xi32, #tpu.memory_space<hbm>>
      %dma_start3A_48 = tpu.memref_squeeze %dma_start3A_47 : memref<1x64x80xi32, #tpu.memory_space<hbm>> -> memref<64x80xi32, #tpu.memory_space<hbm>>
      tpu.enqueue_dma source(%dma_start3A_48 : memref<64x80xi32, #tpu.memory_space<hbm>>) target(%dma_start3A_44 : memref<64x80xi32, #tpu.memory_space<vmem>>) target_semaphore(%run_scoped3A : memref<!tpu.dma_semaphore, #tpu.memory_space<semaphore_mem>>)
      %dma_wait3A = arith.constant 0 : i32
      %dma_wait3A_49 = arith.constant 0 : i32
      %dma_wait3A_50 = tpu.memref_slice %arg8[%dma_wait3A, %dma_wait3A_49] : memref<64x80xi32, #tpu.memory_space<vmem>> -> memref<64x80xi32, #tpu.memory_space<vmem>>
      %dma_wait3A_51 = arith.constant 0 : i32
      %dma_wait3A_52 = arith.constant 0 : i32
      %dma_wait3A_53 = tpu.memref_slice %arg3[%add3A, %dma_wait3A_51, %dma_wait3A_52] : memref<32x128x80xi32, #tpu.memory_space<hbm>> -> memref<1x64x80xi32, #tpu.memory_space<hbm>>
      %dma_wait3A_54 = tpu.memref_squeeze %dma_wait3A_53 : memref<1x64x80xi32, #tpu.memory_space<hbm>> -> memref<64x80xi32, #tpu.memory_space<hbm>>
      %dma_wait3A_55 = arith.constant 0 : i32
      %dma_wait3A_56 = arith.constant 0 : i32
      %dma_wait3A_57 = tpu.memref_slice %arg8[%dma_wait3A_55, %dma_wait3A_56] : memref<64x80xi32, #tpu.memory_space<vmem>> -> memref<64x80xi32, #tpu.memory_space<vmem>>
      %dma_wait3A_58 = arith.constant 0 : i32
      %dma_wait3A_59 = arith.constant 0 : i32
      %dma_wait3A_60 = tpu.memref_slice %arg3[%add3A, %dma_wait3A_58, %dma_wait3A_59] : memref<32x128x80xi32, #tpu.memory_space<hbm>> -> memref<1x64x80xi32, #tpu.memory_space<hbm>>
      %dma_wait3A_61 = tpu.memref_squeeze %dma_wait3A_60 : memref<1x64x80xi32, #tpu.memory_space<hbm>> -> memref<64x80xi32, #tpu.memory_space<hbm>>
      tpu.wait_dma2 semaphore(%run_scoped3A : memref<!tpu.dma_semaphore, #tpu.memory_space<semaphore_mem>>) src(%dma_wait3A_61 : memref<64x80xi32, #tpu.memory_space<hbm>>) dst(%dma_wait3A_57 : memref<64x80xi32, #tpu.memory_space<vmem>>)
      tpu.yield
    }) : () -> ()
    "tpu.region"() ({
      %run_scoped3A = tpu.sem_alloc : memref<!tpu.dma_semaphore, #tpu.memory_space<semaphore_mem>>
      %dma_start3A_35 = arith.constant 0 : i32
      %dma_start3A_36 = arith.constant 0 : i32
      %dma_start3A_37 = tpu.memref_slice %arg9[%dma_start3A_35, %dma_start3A_36] : memref<64x80xi32, #tpu.memory_space<vmem>> -> memref<64x80xi32, #tpu.memory_space<vmem>>
      %dma_start3A_38 = arith.constant 0 : i32
      %dma_start3A_39 = arith.constant 0 : i32
      %dma_start3A_40 = tpu.memref_slice %arg4[%add3A, %dma_start3A_38, %dma_start3A_39] : memref<32x128x80xi32, #tpu.memory_space<hbm>> -> memref<1x64x80xi32, #tpu.memory_space<hbm>>
      %dma_start3A_41 = tpu.memref_squeeze %dma_start3A_40 : memref<1x64x80xi32, #tpu.memory_space<hbm>> -> memref<64x80xi32, #tpu.memory_space<hbm>>
      %dma_start3A_42 = arith.constant 0 : i32
      %dma_start3A_43 = arith.constant 0 : i32
      %dma_start3A_44 = tpu.memref_slice %arg9[%dma_start3A_42, %dma_start3A_43] : memref<64x80xi32, #tpu.memory_space<vmem>> -> memref<64x80xi32, #tpu.memory_space<vmem>>
      %dma_start3A_45 = arith.constant 0 : i32
      %dma_start3A_46 = arith.constant 0 : i32
      %dma_start3A_47 = tpu.memref_slice %arg4[%add3A, %dma_start3A_45, %dma_start3A_46] : memref<32x128x80xi32, #tpu.memory_space<hbm>> -> memref<1x64x80xi32, #tpu.memory_space<hbm>>
      %dma_start3A_48 = tpu.memref_squeeze %dma_start3A_47 : memref<1x64x80xi32, #tpu.memory_space<hbm>> -> memref<64x80xi32, #tpu.memory_space<hbm>>
      tpu.enqueue_dma source(%dma_start3A_48 : memref<64x80xi32, #tpu.memory_space<hbm>>) target(%dma_start3A_44 : memref<64x80xi32, #tpu.memory_space<vmem>>) target_semaphore(%run_scoped3A : memref<!tpu.dma_semaphore, #tpu.memory_space<semaphore_mem>>)
      %dma_wait3A = arith.constant 0 : i32
      %dma_wait3A_49 = arith.constant 0 : i32
      %dma_wait3A_50 = tpu.memref_slice %arg9[%dma_wait3A, %dma_wait3A_49] : memref<64x80xi32, #tpu.memory_space<vmem>> -> memref<64x80xi32, #tpu.memory_space<vmem>>
      %dma_wait3A_51 = arith.constant 0 : i32
      %dma_wait3A_52 = arith.constant 0 : i32
      %dma_wait3A_53 = tpu.memref_slice %arg4[%add3A, %dma_wait3A_51, %dma_wait3A_52] : memref<32x128x80xi32, #tpu.memory_space<hbm>> -> memref<1x64x80xi32, #tpu.memory_space<hbm>>
      %dma_wait3A_54 = tpu.memref_squeeze %dma_wait3A_53 : memref<1x64x80xi32, #tpu.memory_space<hbm>> -> memref<64x80xi32, #tpu.memory_space<hbm>>
      %dma_wait3A_55 = arith.constant 0 : i32
      %dma_wait3A_56 = arith.constant 0 : i32
      %dma_wait3A_57 = tpu.memref_slice %arg9[%dma_wait3A_55, %dma_wait3A_56] : memref<64x80xi32, #tpu.memory_space<vmem>> -> memref<64x80xi32, #tpu.memory_space<vmem>>
      %dma_wait3A_58 = arith.constant 0 : i32
      %dma_wait3A_59 = arith.constant 0 : i32
      %dma_wait3A_60 = tpu.memref_slice %arg4[%add3A, %dma_wait3A_58, %dma_wait3A_59] : memref<32x128x80xi32, #tpu.memory_space<hbm>> -> memref<1x64x80xi32, #tpu.memory_space<hbm>>
      %dma_wait3A_61 = tpu.memref_squeeze %dma_wait3A_60 : memref<1x64x80xi32, #tpu.memory_space<hbm>> -> memref<64x80xi32, #tpu.memory_space<hbm>>
      tpu.wait_dma2 semaphore(%run_scoped3A : memref<!tpu.dma_semaphore, #tpu.memory_space<semaphore_mem>>) src(%dma_wait3A_61 : memref<64x80xi32, #tpu.memory_space<hbm>>) dst(%dma_wait3A_57 : memref<64x80xi32, #tpu.memory_space<vmem>>)
      tpu.yield
    }) : () -> ()
    %dma_start3A = arith.constant 0 : i32
    %dma_start3A_3 = arith.constant 0 : i32
    %dma_start3A_4 = tpu.memref_slice %arg8[%dma_start3A, %dma_start3A_3] : memref<64x80xi32, #tpu.memory_space<vmem>> -> memref<1x80xi32, #tpu.memory_space<vmem>>
    %dma_start3A_5 = tpu.memref_squeeze %dma_start3A_4 : memref<1x80xi32, #tpu.memory_space<vmem>> -> memref<80xi32, #tpu.memory_space<vmem>>
    %dma_start3A_6 = arith.constant 0 : i32
    %dma_start3A_7 = arith.constant 0 : i32
    %dma_start3A_8 = tpu.memref_slice %arg2[%dma_start3A_6, %dma_start3A_7] : memref<10000x128xf32, #tpu.memory_space<hbm>> -> memref<10000x128xf32, #tpu.memory_space<hbm>>
    tpu.enqueue_indirect_dma source(%dma_start3A_8 : memref<10000x128xf32, #tpu.memory_space<hbm>>) target(%arg10 : memref<80x128xf32, #tpu.memory_space<vmem>>) offsets(%dma_start3A_5 : memref<80xi32, #tpu.memory_space<vmem>>) semaphore(%arg13 : memref<!tpu.dma_semaphore, #tpu.memory_space<semaphore_mem>>)
    %scan3A = arith.constant 0 : i32
    %scan3A_9 = arith.constant 0 : i32
    %scan3A_10 = arith.constant 32 : i32
    %scan3A_11 = arith.addi %scan3A_9, %scan3A_10 : i32
    %scan3A_12 = arith.constant 1 : i32
    scf.for %scan3A_35 = %scan3A_9 to %scan3A_11 step %scan3A_12  : i32 {
      %mul3A_36 = arith.constant 2 : i32
      %mul3A_37 = arith.muli %mul3A_36, %scan3A_35 : i32
      %add3A_38 = arith.constant 1 : i32
      %add3A_39 = arith.addi %mul3A_37, %add3A_38 : i32
      %dma_start3A_40 = arith.constant 0 : i32
      %dma_start3A_41 = tpu.memref_slice %arg8[%add3A_39, %dma_start3A_40] : memref<64x80xi32, #tpu.memory_space<vmem>> -> memref<1x80xi32, #tpu.memory_space<vmem>>
      %dma_start3A_42 = tpu.memref_squeeze %dma_start3A_41 : memref<1x80xi32, #tpu.memory_space<vmem>> -> memref<80xi32, #tpu.memory_space<vmem>>
      %dma_start3A_43 = arith.constant 0 : i32
      %dma_start3A_44 = arith.constant 0 : i32
      %dma_start3A_45 = tpu.memref_slice %arg2[%dma_start3A_43, %dma_start3A_44] : memref<10000x128xf32, #tpu.memory_space<hbm>> -> memref<10000x128xf32, #tpu.memory_space<hbm>>
      tpu.enqueue_indirect_dma source(%dma_start3A_45 : memref<10000x128xf32, #tpu.memory_space<hbm>>) target(%arg11 : memref<80x128xf32, #tpu.memory_space<vmem>>) offsets(%dma_start3A_42 : memref<80xi32, #tpu.memory_space<vmem>>) semaphore(%arg14 : memref<!tpu.dma_semaphore, #tpu.memory_space<semaphore_mem>>)
      %dma_wait3A = arith.constant 0 : i32
      %dma_wait3A_46 = arith.constant 0 : i32
      %dma_wait3A_47 = tpu.memref_slice %arg8[%dma_wait3A, %dma_wait3A_46] : memref<64x80xi32, #tpu.memory_space<vmem>> -> memref<1x80xi32, #tpu.memory_space<vmem>>
      %dma_wait3A_48 = tpu.memref_squeeze %dma_wait3A_47 : memref<1x80xi32, #tpu.memory_space<vmem>> -> memref<80xi32, #tpu.memory_space<vmem>>
      %dma_wait3A_49 = arith.constant 0 : i32
      %dma_wait3A_50 = arith.constant 0 : i32
      %dma_wait3A_51 = tpu.memref_slice %arg2[%dma_wait3A_49, %dma_wait3A_50] : memref<10000x128xf32, #tpu.memory_space<hbm>> -> memref<10000x128xf32, #tpu.memory_space<hbm>>
      tpu.wait_indirect_dma semaphore(%arg13 : memref<!tpu.dma_semaphore, #tpu.memory_space<semaphore_mem>>) src(%dma_wait3A_51 : memref<10000x128xf32, #tpu.memory_space<hbm>>) dst(%arg10 : memref<80x128xf32, #tpu.memory_space<vmem>>)
      "tpu.region"() ({
        %run_scoped3A = tpu.sem_alloc : memref<!tpu.dma_semaphore, #tpu.memory_space<semaphore_mem>>
        %dma_start3A_67 = arith.constant 0 : i32
        %dma_start3A_68 = tpu.memref_slice %arg9[%mul3A_37, %dma_start3A_67] : memref<64x80xi32, #tpu.memory_space<vmem>> -> memref<1x80xi32, #tpu.memory_space<vmem>>
        %dma_start3A_69 = tpu.memref_squeeze %dma_start3A_68 : memref<1x80xi32, #tpu.memory_space<vmem>> -> memref<80xi32, #tpu.memory_space<vmem>>
        %dma_start3A_70 = arith.constant 0 : i32
        %dma_start3A_71 = arith.constant 0 : i32
        %dma_start3A_72 = tpu.memref_slice %arg12[%dma_start3A_70, %dma_start3A_71] : memref<10112x128xf32, #tpu.memory_space<vmem_shared>> -> memref<10112x128xf32, #tpu.memory_space<vmem_shared>>
        tpu.enqueue_indirect_dma source(%arg10 : memref<80x128xf32, #tpu.memory_space<vmem>>) target(%dma_start3A_72 : memref<10112x128xf32, #tpu.memory_space<vmem_shared>>) offsets(%dma_start3A_69 : memref<80xi32, #tpu.memory_space<vmem>>) semaphore(%run_scoped3A : memref<!tpu.dma_semaphore, #tpu.memory_space<semaphore_mem>>) {add = true}
        %dma_wait3A_73 = arith.constant 0 : i32
        %dma_wait3A_74 = tpu.memref_slice %arg9[%mul3A_37, %dma_wait3A_73] : memref<64x80xi32, #tpu.memory_space<vmem>> -> memref<1x80xi32, #tpu.memory_space<vmem>>
        %dma_wait3A_75 = tpu.memref_squeeze %dma_wait3A_74 : memref<1x80xi32, #tpu.memory_space<vmem>> -> memref<80xi32, #tpu.memory_space<vmem>>
        %dma_wait3A_76 = arith.constant 0 : i32
        %dma_wait3A_77 = arith.constant 0 : i32
        %dma_wait3A_78 = tpu.memref_slice %arg12[%dma_wait3A_76, %dma_wait3A_77] : memref<10112x128xf32, #tpu.memory_space<vmem_shared>> -> memref<10112x128xf32, #tpu.memory_space<vmem_shared>>
        tpu.wait_indirect_dma semaphore(%run_scoped3A : memref<!tpu.dma_semaphore, #tpu.memory_space<semaphore_mem>>) src(%arg10 : memref<80x128xf32, #tpu.memory_space<vmem>>) dst(%dma_wait3A_78 : memref<10112x128xf32, #tpu.memory_space<vmem_shared>>)
        tpu.yield
      }) : () -> ()
      %add3A_52 = arith.constant 2 : i32
      %add3A_53 = arith.addi %mul3A_37, %add3A_52 : i32
      %lt3A = arith.constant 64 : i32
      %lt3A_54 = arith.cmpi slt, %add3A_53, %lt3A : i32
      %convert_element_type3A_55 = arith.extui %lt3A_54 : i1 to i32
      %cond3A_56 = arith.constant 0 : i32
      %cond3A_57 = arith.cmpi ne, %convert_element_type3A_55, %cond3A_56 : i32
      scf.if %cond3A_57 {
        %add3A_67 = arith.constant 2 : i32
        %add3A_68 = arith.addi %mul3A_37, %add3A_67 : i32
        %dma_start3A_69 = arith.constant 0 : i32
        %dma_start3A_70 = tpu.memref_slice %arg8[%add3A_68, %dma_start3A_69] : memref<64x80xi32, #tpu.memory_space<vmem>> -> memref<1x80xi32, #tpu.memory_space<vmem>>
        %dma_start3A_71 = tpu.memref_squeeze %dma_start3A_70 : memref<1x80xi32, #tpu.memory_space<vmem>> -> memref<80xi32, #tpu.memory_space<vmem>>
        %dma_start3A_72 = arith.constant 0 : i32
        %dma_start3A_73 = arith.constant 0 : i32
        %dma_start3A_74 = tpu.memref_slice %arg2[%dma_start3A_72, %dma_start3A_73] : memref<10000x128xf32, #tpu.memory_space<hbm>> -> memref<10000x128xf32, #tpu.memory_space<hbm>>
        tpu.enqueue_indirect_dma source(%dma_start3A_74 : memref<10000x128xf32, #tpu.memory_space<hbm>>) target(%arg10 : memref<80x128xf32, #tpu.memory_space<vmem>>) offsets(%dma_start3A_71 : memref<80xi32, #tpu.memory_space<vmem>>) semaphore(%arg13 : memref<!tpu.dma_semaphore, #tpu.memory_space<semaphore_mem>>)
      } else {
      }
      %dma_wait3A_58 = arith.constant 0 : i32
      %dma_wait3A_59 = arith.constant 0 : i32
      %dma_wait3A_60 = tpu.memref_slice %arg8[%dma_wait3A_58, %dma_wait3A_59] : memref<64x80xi32, #tpu.memory_space<vmem>> -> memref<1x80xi32, #tpu.memory_space<vmem>>
      %dma_wait3A_61 = tpu.memref_squeeze %dma_wait3A_60 : memref<1x80xi32, #tpu.memory_space<vmem>> -> memref<80xi32, #tpu.memory_space<vmem>>
      %dma_wait3A_62 = arith.constant 0 : i32
      %dma_wait3A_63 = arith.constant 0 : i32
      %dma_wait3A_64 = tpu.memref_slice %arg2[%dma_wait3A_62, %dma_wait3A_63] : memref<10000x128xf32, #tpu.memory_space<hbm>> -> memref<10000x128xf32, #tpu.memory_space<hbm>>
      tpu.wait_indirect_dma semaphore(%arg14 : memref<!tpu.dma_semaphore, #tpu.memory_space<semaphore_mem>>) src(%dma_wait3A_64 : memref<10000x128xf32, #tpu.memory_space<hbm>>) dst(%arg11 : memref<80x128xf32, #tpu.memory_space<vmem>>)
      %add3A_65 = arith.constant 1 : i32
      %add3A_66 = arith.addi %mul3A_37, %add3A_65 : i32
      "tpu.region"() ({
        %run_scoped3A = tpu.sem_alloc : memref<!tpu.dma_semaphore, #tpu.memory_space<semaphore_mem>>
        %dma_start3A_67 = arith.constant 0 : i32
        %dma_start3A_68 = tpu.memref_slice %arg9[%add3A_66, %dma_start3A_67] : memref<64x80xi32, #tpu.memory_space<vmem>> -> memref<1x80xi32, #tpu.memory_space<vmem>>
        %dma_start3A_69 = tpu.memref_squeeze %dma_start3A_68 : memref<1x80xi32, #tpu.memory_space<vmem>> -> memref<80xi32, #tpu.memory_space<vmem>>
        %dma_start3A_70 = arith.constant 0 : i32
        %dma_start3A_71 = arith.constant 0 : i32
        %dma_start3A_72 = tpu.memref_slice %arg12[%dma_start3A_70, %dma_start3A_71] : memref<10112x128xf32, #tpu.memory_space<vmem_shared>> -> memref<10112x128xf32, #tpu.memory_space<vmem_shared>>
        tpu.enqueue_indirect_dma source(%arg11 : memref<80x128xf32, #tpu.memory_space<vmem>>) target(%dma_start3A_72 : memref<10112x128xf32, #tpu.memory_space<vmem_shared>>) offsets(%dma_start3A_69 : memref<80xi32, #tpu.memory_space<vmem>>) semaphore(%run_scoped3A : memref<!tpu.dma_semaphore, #tpu.memory_space<semaphore_mem>>) {add = true}
        %dma_wait3A_73 = arith.constant 0 : i32
        %dma_wait3A_74 = tpu.memref_slice %arg9[%add3A_66, %dma_wait3A_73] : memref<64x80xi32, #tpu.memory_space<vmem>> -> memref<1x80xi32, #tpu.memory_space<vmem>>
        %dma_wait3A_75 = tpu.memref_squeeze %dma_wait3A_74 : memref<1x80xi32, #tpu.memory_space<vmem>> -> memref<80xi32, #tpu.memory_space<vmem>>
        %dma_wait3A_76 = arith.constant 0 : i32
        %dma_wait3A_77 = arith.constant 0 : i32
        %dma_wait3A_78 = tpu.memref_slice %arg12[%dma_wait3A_76, %dma_wait3A_77] : memref<10112x128xf32, #tpu.memory_space<vmem_shared>> -> memref<10112x128xf32, #tpu.memory_space<vmem_shared>>
        tpu.wait_indirect_dma semaphore(%run_scoped3A : memref<!tpu.dma_semaphore, #tpu.memory_space<semaphore_mem>>) src(%arg11 : memref<80x128xf32, #tpu.memory_space<vmem>>) dst(%dma_wait3A_78 : memref<10112x128xf32, #tpu.memory_space<vmem_shared>>)
        tpu.yield
      }) : () -> ()
    }
    %scan3A_13 = arith.constant 32 : i32
    "tpu.region"() ({
      %run_scoped3A = tpu.sem_alloc : memref<!tpu.dma_semaphore, #tpu.memory_space<semaphore_mem>>
      %dma_start3A_35 = arith.constant 0 : i32
      %dma_start3A_36 = arith.constant 0 : i32
      %dma_start3A_37 = tpu.memref_slice %arg8[%dma_start3A_35, %dma_start3A_36] : memref<64x80xi32, #tpu.memory_space<vmem>> -> memref<64x80xi32, #tpu.memory_space<vmem>>
      %dma_start3A_38 = arith.constant 64 : i32
      %dma_start3A_39 = arith.constant 0 : i32
      %dma_start3A_40 = tpu.memref_slice %arg3[%add3A, %dma_start3A_38, %dma_start3A_39] : memref<32x128x80xi32, #tpu.memory_space<hbm>> -> memref<1x64x80xi32, #tpu.memory_space<hbm>>
      %dma_start3A_41 = tpu.memref_squeeze %dma_start3A_40 : memref<1x64x80xi32, #tpu.memory_space<hbm>> -> memref<64x80xi32, #tpu.memory_space<hbm>>
      %dma_start3A_42 = arith.constant 0 : i32
      %dma_start3A_43 = arith.constant 0 : i32
      %dma_start3A_44 = tpu.memref_slice %arg8[%dma_start3A_42, %dma_start3A_43] : memref<64x80xi32, #tpu.memory_space<vmem>> -> memref<64x80xi32, #tpu.memory_space<vmem>>
      %dma_start3A_45 = arith.constant 64 : i32
      %dma_start3A_46 = arith.constant 0 : i32
      %dma_start3A_47 = tpu.memref_slice %arg3[%add3A, %dma_start3A_45, %dma_start3A_46] : memref<32x128x80xi32, #tpu.memory_space<hbm>> -> memref<1x64x80xi32, #tpu.memory_space<hbm>>
      %dma_start3A_48 = tpu.memref_squeeze %dma_start3A_47 : memref<1x64x80xi32, #tpu.memory_space<hbm>> -> memref<64x80xi32, #tpu.memory_space<hbm>>
      tpu.enqueue_dma source(%dma_start3A_48 : memref<64x80xi32, #tpu.memory_space<hbm>>) target(%dma_start3A_44 : memref<64x80xi32, #tpu.memory_space<vmem>>) target_semaphore(%run_scoped3A : memref<!tpu.dma_semaphore, #tpu.memory_space<semaphore_mem>>)
      %dma_wait3A = arith.constant 0 : i32
      %dma_wait3A_49 = arith.constant 0 : i32
      %dma_wait3A_50 = tpu.memref_slice %arg8[%dma_wait3A, %dma_wait3A_49] : memref<64x80xi32, #tpu.memory_space<vmem>> -> memref<64x80xi32, #tpu.memory_space<vmem>>
      %dma_wait3A_51 = arith.constant 64 : i32
      %dma_wait3A_52 = arith.constant 0 : i32
      %dma_wait3A_53 = tpu.memref_slice %arg3[%add3A, %dma_wait3A_51, %dma_wait3A_52] : memref<32x128x80xi32, #tpu.memory_space<hbm>> -> memref<1x64x80xi32, #tpu.memory_space<hbm>>
      %dma_wait3A_54 = tpu.memref_squeeze %dma_wait3A_53 : memref<1x64x80xi32, #tpu.memory_space<hbm>> -> memref<64x80xi32, #tpu.memory_space<hbm>>
      %dma_wait3A_55 = arith.constant 0 : i32
      %dma_wait3A_56 = arith.constant 0 : i32
      %dma_wait3A_57 = tpu.memref_slice %arg8[%dma_wait3A_55, %dma_wait3A_56] : memref<64x80xi32, #tpu.memory_space<vmem>> -> memref<64x80xi32, #tpu.memory_space<vmem>>
      %dma_wait3A_58 = arith.constant 64 : i32
      %dma_wait3A_59 = arith.constant 0 : i32
      %dma_wait3A_60 = tpu.memref_slice %arg3[%add3A, %dma_wait3A_58, %dma_wait3A_59] : memref<32x128x80xi32, #tpu.memory_space<hbm>> -> memref<1x64x80xi32, #tpu.memory_space<hbm>>
      %dma_wait3A_61 = tpu.memref_squeeze %dma_wait3A_60 : memref<1x64x80xi32, #tpu.memory_space<hbm>> -> memref<64x80xi32, #tpu.memory_space<hbm>>
      tpu.wait_dma2 semaphore(%run_scoped3A : memref<!tpu.dma_semaphore, #tpu.memory_space<semaphore_mem>>) src(%dma_wait3A_61 : memref<64x80xi32, #tpu.memory_space<hbm>>) dst(%dma_wait3A_57 : memref<64x80xi32, #tpu.memory_space<vmem>>)
      tpu.yield
    }) : () -> ()
    "tpu.region"() ({
      %run_scoped3A = tpu.sem_alloc : memref<!tpu.dma_semaphore, #tpu.memory_space<semaphore_mem>>
      %dma_start3A_35 = arith.constant 0 : i32
      %dma_start3A_36 = arith.constant 0 : i32
      %dma_start3A_37 = tpu.memref_slice %arg9[%dma_start3A_35, %dma_start3A_36] : memref<64x80xi32, #tpu.memory_space<vmem>> -> memref<64x80xi32, #tpu.memory_space<vmem>>
      %dma_start3A_38 = arith.constant 64 : i32
      %dma_start3A_39 = arith.constant 0 : i32
      %dma_start3A_40 = tpu.memref_slice %arg4[%add3A, %dma_start3A_38, %dma_start3A_39] : memref<32x128x80xi32, #tpu.memory_space<hbm>> -> memref<1x64x80xi32, #tpu.memory_space<hbm>>
      %dma_start3A_41 = tpu.memref_squeeze %dma_start3A_40 : memref<1x64x80xi32, #tpu.memory_space<hbm>> -> memref<64x80xi32, #tpu.memory_space<hbm>>
      %dma_start3A_42 = arith.constant 0 : i32
      %dma_start3A_43 = arith.constant 0 : i32
      %dma_start3A_44 = tpu.memref_slice %arg9[%dma_start3A_42, %dma_start3A_43] : memref<64x80xi32, #tpu.memory_space<vmem>> -> memref<64x80xi32, #tpu.memory_space<vmem>>
      %dma_start3A_45 = arith.constant 64 : i32
      %dma_start3A_46 = arith.constant 0 : i32
      %dma_start3A_47 = tpu.memref_slice %arg4[%add3A, %dma_start3A_45, %dma_start3A_46] : memref<32x128x80xi32, #tpu.memory_space<hbm>> -> memref<1x64x80xi32, #tpu.memory_space<hbm>>
      %dma_start3A_48 = tpu.memref_squeeze %dma_start3A_47 : memref<1x64x80xi32, #tpu.memory_space<hbm>> -> memref<64x80xi32, #tpu.memory_space<hbm>>
      tpu.enqueue_dma source(%dma_start3A_48 : memref<64x80xi32, #tpu.memory_space<hbm>>) target(%dma_start3A_44 : memref<64x80xi32, #tpu.memory_space<vmem>>) target_semaphore(%run_scoped3A : memref<!tpu.dma_semaphore, #tpu.memory_space<semaphore_mem>>)
      %dma_wait3A = arith.constant 0 : i32
      %dma_wait3A_49 = arith.constant 0 : i32
      %dma_wait3A_50 = tpu.memref_slice %arg9[%dma_wait3A, %dma_wait3A_49] : memref<64x80xi32, #tpu.memory_space<vmem>> -> memref<64x80xi32, #tpu.memory_space<vmem>>
      %dma_wait3A_51 = arith.constant 64 : i32
      %dma_wait3A_52 = arith.constant 0 : i32
      %dma_wait3A_53 = tpu.memref_slice %arg4[%add3A, %dma_wait3A_51, %dma_wait3A_52] : memref<32x128x80xi32, #tpu.memory_space<hbm>> -> memref<1x64x80xi32, #tpu.memory_space<hbm>>
      %dma_wait3A_54 = tpu.memref_squeeze %dma_wait3A_53 : memref<1x64x80xi32, #tpu.memory_space<hbm>> -> memref<64x80xi32, #tpu.memory_space<hbm>>
      %dma_wait3A_55 = arith.constant 0 : i32
      %dma_wait3A_56 = arith.constant 0 : i32
      %dma_wait3A_57 = tpu.memref_slice %arg9[%dma_wait3A_55, %dma_wait3A_56] : memref<64x80xi32, #tpu.memory_space<vmem>> -> memref<64x80xi32, #tpu.memory_space<vmem>>
      %dma_wait3A_58 = arith.constant 64 : i32
      %dma_wait3A_59 = arith.constant 0 : i32
      %dma_wait3A_60 = tpu.memref_slice %arg4[%add3A, %dma_wait3A_58, %dma_wait3A_59] : memref<32x128x80xi32, #tpu.memory_space<hbm>> -> memref<1x64x80xi32, #tpu.memory_space<hbm>>
      %dma_wait3A_61 = tpu.memref_squeeze %dma_wait3A_60 : memref<1x64x80xi32, #tpu.memory_space<hbm>> -> memref<64x80xi32, #tpu.memory_space<hbm>>
      tpu.wait_dma2 semaphore(%run_scoped3A : memref<!tpu.dma_semaphore, #tpu.memory_space<semaphore_mem>>) src(%dma_wait3A_61 : memref<64x80xi32, #tpu.memory_space<hbm>>) dst(%dma_wait3A_57 : memref<64x80xi32, #tpu.memory_space<vmem>>)
      tpu.yield
    }) : () -> ()
    %dma_start3A_14 = arith.constant 0 : i32
    %dma_start3A_15 = arith.constant 0 : i32
    %dma_start3A_16 = tpu.memref_slice %arg8[%dma_start3A_14, %dma_start3A_15] : memref<64x80xi32, #tpu.memory_space<vmem>> -> memref<1x80xi32, #tpu.memory_space<vmem>>
    %dma_start3A_17 = tpu.memref_squeeze %dma_start3A_16 : memref<1x80xi32, #tpu.memory_space<vmem>> -> memref<80xi32, #tpu.memory_space<vmem>>
    %dma_start3A_18 = arith.constant 0 : i32
    %dma_start3A_19 = arith.constant 0 : i32
    %dma_start3A_20 = tpu.memref_slice %arg2[%dma_start3A_18, %dma_start3A_19] : memref<10000x128xf32, #tpu.memory_space<hbm>> -> memref<10000x128xf32, #tpu.memory_space<hbm>>
    tpu.enqueue_indirect_dma source(%dma_start3A_20 : memref<10000x128xf32, #tpu.memory_space<hbm>>) target(%arg10 : memref<80x128xf32, #tpu.memory_space<vmem>>) offsets(%dma_start3A_17 : memref<80xi32, #tpu.memory_space<vmem>>) semaphore(%arg13 : memref<!tpu.dma_semaphore, #tpu.memory_space<semaphore_mem>>)
    %scan3A_21 = arith.constant 0 : i32
    %scan3A_22 = arith.constant 0 : i32
    %scan3A_23 = arith.constant 32 : i32
    %scan3A_24 = arith.addi %scan3A_22, %scan3A_23 : i32
    %scan3A_25 = arith.constant 1 : i32
    scf.for %scan3A_35 = %scan3A_22 to %scan3A_24 step %scan3A_25  : i32 {
      %mul3A_36 = arith.constant 2 : i32
      %mul3A_37 = arith.muli %mul3A_36, %scan3A_35 : i32
      %add3A_38 = arith.constant 1 : i32
      %add3A_39 = arith.addi %mul3A_37, %add3A_38 : i32
      %dma_start3A_40 = arith.constant 0 : i32
      %dma_start3A_41 = tpu.memref_slice %arg8[%add3A_39, %dma_start3A_40] : memref<64x80xi32, #tpu.memory_space<vmem>> -> memref<1x80xi32, #tpu.memory_space<vmem>>
      %dma_start3A_42 = tpu.memref_squeeze %dma_start3A_41 : memref<1x80xi32, #tpu.memory_space<vmem>> -> memref<80xi32, #tpu.memory_space<vmem>>
      %dma_start3A_43 = arith.constant 0 : i32
      %dma_start3A_44 = arith.constant 0 : i32
      %dma_start3A_45 = tpu.memref_slice %arg2[%dma_start3A_43, %dma_start3A_44] : memref<10000x128xf32, #tpu.memory_space<hbm>> -> memref<10000x128xf32, #tpu.memory_space<hbm>>
      tpu.enqueue_indirect_dma source(%dma_start3A_45 : memref<10000x128xf32, #tpu.memory_space<hbm>>) target(%arg11 : memref<80x128xf32, #tpu.memory_space<vmem>>) offsets(%dma_start3A_42 : memref<80xi32, #tpu.memory_space<vmem>>) semaphore(%arg14 : memref<!tpu.dma_semaphore, #tpu.memory_space<semaphore_mem>>)
      %dma_wait3A = arith.constant 0 : i32
      %dma_wait3A_46 = arith.constant 0 : i32
      %dma_wait3A_47 = tpu.memref_slice %arg8[%dma_wait3A, %dma_wait3A_46] : memref<64x80xi32, #tpu.memory_space<vmem>> -> memref<1x80xi32, #tpu.memory_space<vmem>>
      %dma_wait3A_48 = tpu.memref_squeeze %dma_wait3A_47 : memref<1x80xi32, #tpu.memory_space<vmem>> -> memref<80xi32, #tpu.memory_space<vmem>>
      %dma_wait3A_49 = arith.constant 0 : i32
      %dma_wait3A_50 = arith.constant 0 : i32
      %dma_wait3A_51 = tpu.memref_slice %arg2[%dma_wait3A_49, %dma_wait3A_50] : memref<10000x128xf32, #tpu.memory_space<hbm>> -> memref<10000x128xf32, #tpu.memory_space<hbm>>
      tpu.wait_indirect_dma semaphore(%arg13 : memref<!tpu.dma_semaphore, #tpu.memory_space<semaphore_mem>>) src(%dma_wait3A_51 : memref<10000x128xf32, #tpu.memory_space<hbm>>) dst(%arg10 : memref<80x128xf32, #tpu.memory_space<vmem>>)
      "tpu.region"() ({
        %run_scoped3A = tpu.sem_alloc : memref<!tpu.dma_semaphore, #tpu.memory_space<semaphore_mem>>
        %dma_start3A_67 = arith.constant 0 : i32
        %dma_start3A_68 = tpu.memref_slice %arg9[%mul3A_37, %dma_start3A_67] : memref<64x80xi32, #tpu.memory_space<vmem>> -> memref<1x80xi32, #tpu.memory_space<vmem>>
        %dma_start3A_69 = tpu.memref_squeeze %dma_start3A_68 : memref<1x80xi32, #tpu.memory_space<vmem>> -> memref<80xi32, #tpu.memory_space<vmem>>
        %dma_start3A_70 = arith.constant 0 : i32
        %dma_start3A_71 = arith.constant 0 : i32
        %dma_start3A_72 = tpu.memref_slice %arg12[%dma_start3A_70, %dma_start3A_71] : memref<10112x128xf32, #tpu.memory_space<vmem_shared>> -> memref<10112x128xf32, #tpu.memory_space<vmem_shared>>
        tpu.enqueue_indirect_dma source(%arg10 : memref<80x128xf32, #tpu.memory_space<vmem>>) target(%dma_start3A_72 : memref<10112x128xf32, #tpu.memory_space<vmem_shared>>) offsets(%dma_start3A_69 : memref<80xi32, #tpu.memory_space<vmem>>) semaphore(%run_scoped3A : memref<!tpu.dma_semaphore, #tpu.memory_space<semaphore_mem>>) {add = true}
        %dma_wait3A_73 = arith.constant 0 : i32
        %dma_wait3A_74 = tpu.memref_slice %arg9[%mul3A_37, %dma_wait3A_73] : memref<64x80xi32, #tpu.memory_space<vmem>> -> memref<1x80xi32, #tpu.memory_space<vmem>>
        %dma_wait3A_75 = tpu.memref_squeeze %dma_wait3A_74 : memref<1x80xi32, #tpu.memory_space<vmem>> -> memref<80xi32, #tpu.memory_space<vmem>>
        %dma_wait3A_76 = arith.constant 0 : i32
        %dma_wait3A_77 = arith.constant 0 : i32
        %dma_wait3A_78 = tpu.memref_slice %arg12[%dma_wait3A_76, %dma_wait3A_77] : memref<10112x128xf32, #tpu.memory_space<vmem_shared>> -> memref<10112x128xf32, #tpu.memory_space<vmem_shared>>
        tpu.wait_indirect_dma semaphore(%run_scoped3A : memref<!tpu.dma_semaphore, #tpu.memory_space<semaphore_mem>>) src(%arg10 : memref<80x128xf32, #tpu.memory_space<vmem>>) dst(%dma_wait3A_78 : memref<10112x128xf32, #tpu.memory_space<vmem_shared>>)
        tpu.yield
      }) : () -> ()
      %add3A_52 = arith.constant 2 : i32
      %add3A_53 = arith.addi %mul3A_37, %add3A_52 : i32
      %lt3A = arith.constant 64 : i32
      %lt3A_54 = arith.cmpi slt, %add3A_53, %lt3A : i32
      %convert_element_type3A_55 = arith.extui %lt3A_54 : i1 to i32
      %cond3A_56 = arith.constant 0 : i32
      %cond3A_57 = arith.cmpi ne, %convert_element_type3A_55, %cond3A_56 : i32
      scf.if %cond3A_57 {
        %add3A_67 = arith.constant 2 : i32
        %add3A_68 = arith.addi %mul3A_37, %add3A_67 : i32
        %dma_start3A_69 = arith.constant 0 : i32
        %dma_start3A_70 = tpu.memref_slice %arg8[%add3A_68, %dma_start3A_69] : memref<64x80xi32, #tpu.memory_space<vmem>> -> memref<1x80xi32, #tpu.memory_space<vmem>>
        %dma_start3A_71 = tpu.memref_squeeze %dma_start3A_70 : memref<1x80xi32, #tpu.memory_space<vmem>> -> memref<80xi32, #tpu.memory_space<vmem>>
        %dma_start3A_72 = arith.constant 0 : i32
        %dma_start3A_73 = arith.constant 0 : i32
        %dma_start3A_74 = tpu.memref_slice %arg2[%dma_start3A_72, %dma_start3A_73] : memref<10000x128xf32, #tpu.memory_space<hbm>> -> memref<10000x128xf32, #tpu.memory_space<hbm>>
        tpu.enqueue_indirect_dma source(%dma_start3A_74 : memref<10000x128xf32, #tpu.memory_space<hbm>>) target(%arg10 : memref<80x128xf32, #tpu.memory_space<vmem>>) offsets(%dma_start3A_71 : memref<80xi32, #tpu.memory_space<vmem>>) semaphore(%arg13 : memref<!tpu.dma_semaphore, #tpu.memory_space<semaphore_mem>>)
      } else {
      }
      %dma_wait3A_58 = arith.constant 0 : i32
      %dma_wait3A_59 = arith.constant 0 : i32
      %dma_wait3A_60 = tpu.memref_slice %arg8[%dma_wait3A_58, %dma_wait3A_59] : memref<64x80xi32, #tpu.memory_space<vmem>> -> memref<1x80xi32, #tpu.memory_space<vmem>>
      %dma_wait3A_61 = tpu.memref_squeeze %dma_wait3A_60 : memref<1x80xi32, #tpu.memory_space<vmem>> -> memref<80xi32, #tpu.memory_space<vmem>>
      %dma_wait3A_62 = arith.constant 0 : i32
      %dma_wait3A_63 = arith.constant 0 : i32
      %dma_wait3A_64 = tpu.memref_slice %arg2[%dma_wait3A_62, %dma_wait3A_63] : memref<10000x128xf32, #tpu.memory_space<hbm>> -> memref<10000x128xf32, #tpu.memory_space<hbm>>
      tpu.wait_indirect_dma semaphore(%arg14 : memref<!tpu.dma_semaphore, #tpu.memory_space<semaphore_mem>>) src(%dma_wait3A_64 : memref<10000x128xf32, #tpu.memory_space<hbm>>) dst(%arg11 : memref<80x128xf32, #tpu.memory_space<vmem>>)
      %add3A_65 = arith.constant 1 : i32
      %add3A_66 = arith.addi %mul3A_37, %add3A_65 : i32
      "tpu.region"() ({
        %run_scoped3A = tpu.sem_alloc : memref<!tpu.dma_semaphore, #tpu.memory_space<semaphore_mem>>
        %dma_start3A_67 = arith.constant 0 : i32
        %dma_start3A_68 = tpu.memref_slice %arg9[%add3A_66, %dma_start3A_67] : memref<64x80xi32, #tpu.memory_space<vmem>> -> memref<1x80xi32, #tpu.memory_space<vmem>>
        %dma_start3A_69 = tpu.memref_squeeze %dma_start3A_68 : memref<1x80xi32, #tpu.memory_space<vmem>> -> memref<80xi32, #tpu.memory_space<vmem>>
        %dma_start3A_70 = arith.constant 0 : i32
        %dma_start3A_71 = arith.constant 0 : i32
        %dma_start3A_72 = tpu.memref_slice %arg12[%dma_start3A_70, %dma_start3A_71] : memref<10112x128xf32, #tpu.memory_space<vmem_shared>> -> memref<10112x128xf32, #tpu.memory_space<vmem_shared>>
        tpu.enqueue_indirect_dma source(%arg11 : memref<80x128xf32, #tpu.memory_space<vmem>>) target(%dma_start3A_72 : memref<10112x128xf32, #tpu.memory_space<vmem_shared>>) offsets(%dma_start3A_69 : memref<80xi32, #tpu.memory_space<vmem>>) semaphore(%run_scoped3A : memref<!tpu.dma_semaphore, #tpu.memory_space<semaphore_mem>>) {add = true}
        %dma_wait3A_73 = arith.constant 0 : i32
        %dma_wait3A_74 = tpu.memref_slice %arg9[%add3A_66, %dma_wait3A_73] : memref<64x80xi32, #tpu.memory_space<vmem>> -> memref<1x80xi32, #tpu.memory_space<vmem>>
        %dma_wait3A_75 = tpu.memref_squeeze %dma_wait3A_74 : memref<1x80xi32, #tpu.memory_space<vmem>> -> memref<80xi32, #tpu.memory_space<vmem>>
        %dma_wait3A_76 = arith.constant 0 : i32
        %dma_wait3A_77 = arith.constant 0 : i32
        %dma_wait3A_78 = tpu.memref_slice %arg12[%dma_wait3A_76, %dma_wait3A_77] : memref<10112x128xf32, #tpu.memory_space<vmem_shared>> -> memref<10112x128xf32, #tpu.memory_space<vmem_shared>>
        tpu.wait_indirect_dma semaphore(%run_scoped3A : memref<!tpu.dma_semaphore, #tpu.memory_space<semaphore_mem>>) src(%arg11 : memref<80x128xf32, #tpu.memory_space<vmem>>) dst(%dma_wait3A_78 : memref<10112x128xf32, #tpu.memory_space<vmem_shared>>)
        tpu.yield
      }) : () -> ()
    }
    %scan3A_26 = arith.constant 32 : i32
    %barrier3A_27 = arith.constant 0 : index
    tpu.barrier barrier_id(%barrier3A_27)
    %eq3A = arith.constant 0 : i32
    %eq3A_28 = arith.cmpi eq, %arg0, %eq3A : i32
    %convert_element_type3A = arith.extui %eq3A_28 : i1 to i32
    %cond3A = arith.constant 0 : i32
    %cond3A_29 = arith.cmpi ne, %convert_element_type3A, %cond3A : i32
    scf.if %cond3A_29 {
      "tpu.region"() ({
        %run_scoped3A = tpu.sem_alloc : memref<!tpu.dma_semaphore, #tpu.memory_space<semaphore_mem>>
        %dma_start3A_35 = arith.constant 0 : i32
        %dma_start3A_36 = tpu.memref_slice %arg6[%mul3A_2, %dma_start3A_35] : memref<10112x128xf32, #tpu.memory_space<hbm>> -> memref<632x128xf32, #tpu.memory_space<hbm>>
        %dma_start3A_37 = arith.constant 0 : i32
        %dma_start3A_38 = tpu.memref_slice %arg12[%mul3A_2, %dma_start3A_37] : memref<10112x128xf32, #tpu.memory_space<vmem_shared>> -> memref<632x128xf32, #tpu.memory_space<vmem_shared>>
        tpu.enqueue_dma source(%dma_start3A_38 : memref<632x128xf32, #tpu.memory_space<vmem_shared>>) target(%dma_start3A_36 : memref<632x128xf32, #tpu.memory_space<hbm>>) target_semaphore(%run_scoped3A : memref<!tpu.dma_semaphore, #tpu.memory_space<semaphore_mem>>)
        %dma_wait3A = arith.constant 0 : i32
        %dma_wait3A_39 = tpu.memref_slice %arg6[%mul3A_2, %dma_wait3A] : memref<10112x128xf32, #tpu.memory_space<hbm>> -> memref<632x128xf32, #tpu.memory_space<hbm>>
        %dma_wait3A_40 = arith.constant 0 : i32
        %dma_wait3A_41 = tpu.memref_slice %arg12[%mul3A_2, %dma_wait3A_40] : memref<10112x128xf32, #tpu.memory_space<vmem_shared>> -> memref<632x128xf32, #tpu.memory_space<vmem_shared>>
        tpu.wait_dma2 semaphore(%run_scoped3A : memref<!tpu.dma_semaphore, #tpu.memory_space<semaphore_mem>>) src(%dma_wait3A_41 : memref<632x128xf32, #tpu.memory_space<vmem_shared>>) dst(%dma_wait3A_39 : memref<632x128xf32, #tpu.memory_space<hbm>>)
        tpu.yield
      }) : () -> ()
    } else {
    }
    %eq3A_30 = arith.constant 1 : i32
    %eq3A_31 = arith.cmpi eq, %arg0, %eq3A_30 : i32
    %convert_element_type3A_32 = arith.extui %eq3A_31 : i1 to i32
    %cond3A_33 = arith.constant 0 : i32
    %cond3A_34 = arith.cmpi ne, %convert_element_type3A_32, %cond3A_33 : i32
    scf.if %cond3A_34 {
      "tpu.region"() ({
        %run_scoped3A = tpu.sem_alloc : memref<!tpu.dma_semaphore, #tpu.memory_space<semaphore_mem>>
        %dma_start3A_35 = arith.constant 0 : i32
        %dma_start3A_36 = tpu.memref_slice %arg7[%mul3A_2, %dma_start3A_35] : memref<10112x128xf32, #tpu.memory_space<hbm>> -> memref<632x128xf32, #tpu.memory_space<hbm>>
        %dma_start3A_37 = arith.constant 0 : i32
        %dma_start3A_38 = tpu.memref_slice %arg12[%mul3A_2, %dma_start3A_37] : memref<10112x128xf32, #tpu.memory_space<vmem_shared>> -> memref<632x128xf32, #tpu.memory_space<vmem_shared>>
        tpu.enqueue_dma source(%dma_start3A_38 : memref<632x128xf32, #tpu.memory_space<vmem_shared>>) target(%dma_start3A_36 : memref<632x128xf32, #tpu.memory_space<hbm>>) target_semaphore(%run_scoped3A : memref<!tpu.dma_semaphore, #tpu.memory_space<semaphore_mem>>)
        %dma_wait3A = arith.constant 0 : i32
        %dma_wait3A_39 = tpu.memref_slice %arg7[%mul3A_2, %dma_wait3A] : memref<10112x128xf32, #tpu.memory_space<hbm>> -> memref<632x128xf32, #tpu.memory_space<hbm>>
        %dma_wait3A_40 = arith.constant 0 : i32
        %dma_wait3A_41 = tpu.memref_slice %arg12[%mul3A_2, %dma_wait3A_40] : memref<10112x128xf32, #tpu.memory_space<vmem_shared>> -> memref<632x128xf32, #tpu.memory_space<vmem_shared>>
        tpu.wait_dma2 semaphore(%run_scoped3A : memref<!tpu.dma_semaphore, #tpu.memory_space<semaphore_mem>>) src(%dma_wait3A_41 : memref<632x128xf32, #tpu.memory_space<vmem_shared>>) dst(%dma_wait3A_39 : memref<632x128xf32, #tpu.memory_space<hbm>>)
        tpu.yield
      }) : () -> ()
    } else {
    }
    return
  }
}

module attributes {stable_mosaic.version = 14 : i64} {
  func.func @_pre_body(%arg0: memref<10000x128xf32, #tpu.memory_space<vmem>>, %arg1: memref<128x128xf32, #tpu.memory_space<vmem>>, %arg2: memref<128x128xf32, #tpu.memory_space<vmem>>, %arg3: memref<10000x128xf32, #tpu.memory_space<vmem>>, %arg4: memref<10000x128xf32, #tpu.memory_space<vmem>>) attributes {dimension_semantics = [], scalar_prefetch = 0 : i64, scratch_operands = 0 : i64, tpu.core_type = #tpu.core_type<tc>} {
    %get3A = arith.constant 0 : index
    %get3A_0 = arith.constant 0 : index
    %get3A_1 = vector.load %arg0[%get3A, %get3A_0] : memref<10000x128xf32, #tpu.memory_space<vmem>>, vector<10000x128xf32>
    %get3A_2 = arith.constant 0 : index
    %get3A_3 = arith.constant 0 : index
    %get3A_4 = vector.load %arg1[%get3A_2, %get3A_3] : memref<128x128xf32, #tpu.memory_space<vmem>>, vector<128x128xf32>
    %dot_general3A = arith.constant dense<0.000000e+00> : vector<10000x128xf32>
    %dot_general3A_5 = tpu.matmul %get3A_1, %get3A_4, %dot_general3A {dimension_numbers = #tpu.dot_dimension_numbers<[1], [0], [0], [1], [0, 0, 1, 1], [], []>, precision = #tpu.contract_precision<fp32>, transpose_lhs_hint = false} : vector<10000x128xf32>, vector<128x128xf32>, vector<10000x128xf32> -> vector<10000x128xf32>
    %swap3A = arith.constant 0 : index
    %swap3A_6 = arith.constant 0 : index
    %swap3A_7 = vector.load %arg3[%swap3A, %swap3A_6] : memref<10000x128xf32, #tpu.memory_space<vmem>>, vector<10000x128xf32>
    tpu.vector_store %arg3[%swap3A, %swap3A_6], %dot_general3A_5 {strides = array<i32>} : memref<10000x128xf32, #tpu.memory_space<vmem>>, vector<10000x128xf32>,
    %get3A_8 = arith.constant 0 : index
    %get3A_9 = arith.constant 0 : index
    %get3A_10 = vector.load %arg2[%get3A_8, %get3A_9] : memref<128x128xf32, #tpu.memory_space<vmem>>, vector<128x128xf32>
    %dot_general3A_11 = arith.constant dense<0.000000e+00> : vector<10000x128xf32>
    %dot_general3A_12 = tpu.matmul %get3A_1, %get3A_10, %dot_general3A_11 {dimension_numbers = #tpu.dot_dimension_numbers<[1], [0], [0], [1], [0, 0, 1, 1], [], []>, precision = #tpu.contract_precision<fp32>, transpose_lhs_hint = false} : vector<10000x128xf32>, vector<128x128xf32>, vector<10000x128xf32> -> vector<10000x128xf32>
    %swap3A_13 = arith.constant 0 : index
    %swap3A_14 = arith.constant 0 : index
    %swap3A_15 = vector.load %arg4[%swap3A_13, %swap3A_14] : memref<10000x128xf32, #tpu.memory_space<vmem>>, vector<10000x128xf32>
    tpu.vector_store %arg4[%swap3A_13, %swap3A_14], %dot_general3A_12 {strides = array<i32>} : memref<10000x128xf32, #tpu.memory_space<vmem>>, vector<10000x128xf32>,
    return
  }
}

module attributes {stable_mosaic.version = 14 : i64} {
  func.func @_mid_body(%arg0: memref<10000x128xf32, #tpu.memory_space<vmem>>, %arg1: memref<10000x128xf32, #tpu.memory_space<vmem>>, %arg2: memref<1x128xf32, #tpu.memory_space<vmem>>, %arg3: memref<128x128xf32, #tpu.memory_space<vmem>>, %arg4: memref<1x128xf32, #tpu.memory_space<vmem>>, %arg5: memref<1x128xf32, #tpu.memory_space<vmem>>, %arg6: memref<1x128xf32, #tpu.memory_space<vmem>>, %arg7: memref<10000x128xf32, #tpu.memory_space<vmem>>, %arg8: memref<128x128xf32, #tpu.memory_space<vmem>>, %arg9: memref<10000x128xf32, #tpu.memory_space<vmem>>, %arg10: memref<10000x128xf32, #tpu.memory_space<vmem>>) attributes {dimension_semantics = [], scalar_prefetch = 0 : i64, scratch_operands = 0 : i64, tpu.core_type = #tpu.core_type<tc>} {
    %get3A = arith.constant 0 : index
    %get3A_0 = arith.constant 0 : index
    %get3A_1 = vector.load %arg0[%get3A, %get3A_0] : memref<10000x128xf32, #tpu.memory_space<vmem>>, vector<10000x128xf32>
    %get3A_2 = arith.constant 0 : index
    %get3A_3 = arith.constant 0 : index
    %get3A_4 = vector.load %arg1[%get3A_2, %get3A_3] : memref<10000x128xf32, #tpu.memory_space<vmem>>, vector<10000x128xf32>
    %add3A = arith.addf %get3A_1, %get3A_4 : vector<10000x128xf32>
    %get3A_5 = arith.constant 0 : index
    %get3A_6 = arith.constant 0 : index
    %get3A_7 = vector.load %arg2[%get3A_5, %get3A_6] : memref<1x128xf32, #tpu.memory_space<vmem>>, vector<1x128xf32>
    %add3A_8 = vector.broadcast %get3A_7 : vector<1x128xf32> to vector<10000x128xf32>
    %add3A_9 = arith.addf %add3A, %add3A_8 : vector<10000x128xf32>
    %max3A = arith.constant 0.000000e+00 : f32
    %max3A_10 = vector.broadcast %max3A : f32 to vector<10000x128xf32>
    %max3A_11 = arith.maximumf %add3A_9, %max3A_10 : vector<10000x128xf32>
    %get3A_12 = arith.constant 0 : index
    %get3A_13 = arith.constant 0 : index
    %get3A_14 = vector.load %arg3[%get3A_12, %get3A_13] : memref<128x128xf32, #tpu.memory_space<vmem>>, vector<128x128xf32>
    %dot_general3A = arith.constant dense<0.000000e+00> : vector<10000x128xf32>
    %dot_general3A_15 = tpu.matmul %max3A_11, %get3A_14, %dot_general3A {dimension_numbers = #tpu.dot_dimension_numbers<[1], [0], [0], [1], [0, 0, 1, 1], [], []>, precision = #tpu.contract_precision<fp32>, transpose_lhs_hint = false} : vector<10000x128xf32>, vector<128x128xf32>, vector<10000x128xf32> -> vector<10000x128xf32>
    %get3A_16 = arith.constant 0 : index
    %get3A_17 = arith.constant 0 : index
    %get3A_18 = vector.load %arg4[%get3A_16, %get3A_17] : memref<1x128xf32, #tpu.memory_space<vmem>>, vector<1x128xf32>
    %add3A_19 = vector.broadcast %get3A_18 : vector<1x128xf32> to vector<10000x128xf32>
    %add3A_20 = arith.addf %dot_general3A_15, %add3A_19 : vector<10000x128xf32>
    %min3A = arith.constant 0.000000e+00 : f32
    %min3A_21 = vector.broadcast %min3A : f32 to vector<10000x128xf32>
    %min3A_22 = arith.minimumf %add3A_20, %min3A_21 : vector<10000x128xf32>
    %exp3A = math.exp %min3A_22 : vector<10000x128xf32>
    %sub3A = arith.constant 1.000000e+00 : f32
    %sub3A_23 = vector.broadcast %sub3A : f32 to vector<10000x128xf32>
    %sub3A_24 = arith.subf %exp3A, %sub3A_23 : vector<10000x128xf32>
    %mul3A = arith.constant 1.67326319 : f32
    %mul3A_25 = vector.broadcast %mul3A : f32 to vector<10000x128xf32>
    %mul3A_26 = arith.mulf %mul3A_25, %sub3A_24 : vector<10000x128xf32>
    %gt3A = arith.constant 0.000000e+00 : f32
    %gt3A_27 = vector.broadcast %gt3A : f32 to vector<10000x128xf32>
    %gt3A_28 = arith.cmpf ogt, %add3A_20, %gt3A_27 : vector<10000x128xf32>
    %select_n3A = arith.select %gt3A_28, %add3A_20, %mul3A_26 : vector<10000x128xi1>, vector<10000x128xf32>
    %mul3A_29 = arith.constant 1.05070102 : f32
    %mul3A_30 = vector.broadcast %mul3A_29 : f32 to vector<10000x128xf32>
    %mul3A_31 = arith.mulf %mul3A_30, %select_n3A : vector<10000x128xf32>
    %get3A_32 = arith.constant 0 : index
    %get3A_33 = arith.constant 0 : index
    %get3A_34 = vector.load %arg5[%get3A_32, %get3A_33] : memref<1x128xf32, #tpu.memory_space<vmem>>, vector<1x128xf32>
    %get3A_35 = arith.constant 0 : index
    %get3A_36 = arith.constant 0 : index
    %get3A_37 = vector.load %arg6[%get3A_35, %get3A_36] : memref<1x128xf32, #tpu.memory_space<vmem>>, vector<1x128xf32>
    %reduce_sum3A = arith.constant dense<0.000000e+00> : vector<128xf32>
    %reduce_sum3A_38 = vector.multi_reduction <add>, %mul3A_31, %reduce_sum3A [0] : vector<10000x128xf32> to vector<128xf32>
    %div3A = arith.constant 1.000000e+04 : f32
    %div3A_39 = vector.broadcast %div3A : f32 to vector<128xf32>
    %div3A_40 = arith.divf %reduce_sum3A_38, %div3A_39 : vector<128xf32>
    %jit3A = arith.constant 0 : i32
    %reduce_sum3A_41 = arith.constant dense<0.000000e+00> : vector<128xf32>
    %reduce_sum3A_42 = vector.multi_reduction <add>, %mul3A_31, %reduce_sum3A_41 [0] : vector<10000x128xf32> to vector<128xf32>
    %broadcast_in_dim3A = vector.shape_cast %reduce_sum3A_42 : vector<128xf32> to vector<1x128xf32>
    %div3A_43 = arith.constant 1.000000e+04 : f32
    %div3A_44 = vector.broadcast %div3A_43 : f32 to vector<1x128xf32>
    %div3A_45 = arith.divf %broadcast_in_dim3A, %div3A_44 : vector<1x128xf32>
    %sub3A_46 = vector.broadcast %div3A_45 : vector<1x128xf32> to vector<10000x128xf32>
    %sub3A_47 = arith.subf %mul3A_31, %sub3A_46 : vector<10000x128xf32>
    %square3A = arith.mulf %sub3A_47, %sub3A_47 : vector<10000x128xf32>
    %convert_element_type3A = arith.sitofp %jit3A : i32 to f32
    %sub3A_48 = arith.constant 1.000000e+04 : f32
    %sub3A_49 = arith.subf %sub3A_48, %convert_element_type3A : f32
    %reduce_sum3A_50 = arith.constant dense<0.000000e+00> : vector<128xf32>
    %reduce_sum3A_51 = vector.multi_reduction <add>, %square3A, %reduce_sum3A_50 [0] : vector<10000x128xf32> to vector<128xf32>
    %div3A_52 = vector.broadcast %sub3A_49 : f32 to vector<128xf32>
    %div3A_53 = arith.divf %reduce_sum3A_51, %div3A_52 : vector<128xf32>
    %gt3A_54 = arith.constant 0.000000e+00 : f32
    %gt3A_55 = arith.cmpf ogt, %sub3A_49, %gt3A_54 : f32
    %jit3A_56 = arith.constant 0x7FC00000 : f32
    %broadcast_in_dim3A_57 = vector.broadcast %jit3A_56 : f32 to vector<128xf32>
    %select_n3A_58 = arith.select %gt3A_55, %div3A_53, %broadcast_in_dim3A_57 : vector<128xf32>
    %broadcast_in_dim3A_59 = vector.shape_cast %div3A_40 : vector<128xf32> to vector<1x128xf32>
    %sub3A_60 = vector.broadcast %broadcast_in_dim3A_59 : vector<1x128xf32> to vector<10000x128xf32>
    %sub3A_61 = arith.subf %mul3A_31, %sub3A_60 : vector<10000x128xf32>
    %add3A_62 = arith.constant 9.99999974E-6 : f32
    %add3A_63 = vector.broadcast %add3A_62 : f32 to vector<128xf32>
    %add3A_64 = arith.addf %select_n3A_58, %add3A_63 : vector<128xf32>
    %sqrt3A = math.sqrt %add3A_64 : vector<128xf32>
    %broadcast_in_dim3A_65 = vector.shape_cast %sqrt3A : vector<128xf32> to vector<1x128xf32>
    %div3A_66 = vector.broadcast %broadcast_in_dim3A_65 : vector<1x128xf32> to vector<10000x128xf32>
    %div3A_67 = arith.divf %sub3A_61, %div3A_66 : vector<10000x128xf32>
    %mul3A_68 = vector.broadcast %get3A_34 : vector<1x128xf32> to vector<10000x128xf32>
    %mul3A_69 = arith.mulf %div3A_67, %mul3A_68 : vector<10000x128xf32>
    %add3A_70 = vector.broadcast %get3A_37 : vector<1x128xf32> to vector<10000x128xf32>
    %add3A_71 = arith.addf %mul3A_69, %add3A_70 : vector<10000x128xf32>
    %swap3A = arith.constant 0 : index
    %swap3A_72 = arith.constant 0 : index
    %swap3A_73 = vector.load %arg9[%swap3A, %swap3A_72] : memref<10000x128xf32, #tpu.memory_space<vmem>>, vector<10000x128xf32>
    tpu.vector_store %arg9[%swap3A, %swap3A_72], %add3A_71 {strides = array<i32>} : memref<10000x128xf32, #tpu.memory_space<vmem>>, vector<10000x128xf32>,
    %get3A_74 = arith.constant 0 : index
    %get3A_75 = arith.constant 0 : index
    %get3A_76 = vector.load %arg7[%get3A_74, %get3A_75] : memref<10000x128xf32, #tpu.memory_space<vmem>>, vector<10000x128xf32>
    %get3A_77 = arith.constant 0 : index
    %get3A_78 = arith.constant 0 : index
    %get3A_79 = vector.load %arg8[%get3A_77, %get3A_78] : memref<128x128xf32, #tpu.memory_space<vmem>>, vector<128x128xf32>
    %dot_general3A_80 = arith.constant dense<0.000000e+00> : vector<10000x128xf32>
    %dot_general3A_81 = tpu.matmul %add3A_71, %get3A_79, %dot_general3A_80 {dimension_numbers = #tpu.dot_dimension_numbers<[1], [0], [0], [1], [0, 0, 1, 1], [], []>, precision = #tpu.contract_precision<fp32>, transpose_lhs_hint = false} : vector<10000x128xf32>, vector<128x128xf32>, vector<10000x128xf32> -> vector<10000x128xf32>
    %add3A_82 = arith.addf %get3A_76, %dot_general3A_81 : vector<10000x128xf32>
    %swap3A_83 = arith.constant 0 : index
    %swap3A_84 = arith.constant 0 : index
    %swap3A_85 = vector.load %arg10[%swap3A_83, %swap3A_84] : memref<10000x128xf32, #tpu.memory_space<vmem>>, vector<10000x128xf32>
    tpu.vector_store %arg10[%swap3A_83, %swap3A_84], %add3A_82 {strides = array<i32>} : memref<10000x128xf32, #tpu.memory_space<vmem>>, vector<10000x128xf32>,
    return
  }
}

module attributes {stable_mosaic.version = 14 : i64} {
  func.func @_post_body(%arg0: memref<10000x128xf32, #tpu.memory_space<vmem>>, %arg1: memref<10000x128xf32, #tpu.memory_space<vmem>>, %arg2: memref<1x128xf32, #tpu.memory_space<vmem>>, %arg3: memref<128x128xf32, #tpu.memory_space<vmem>>, %arg4: memref<1x128xf32, #tpu.memory_space<vmem>>, %arg5: memref<1x128xf32, #tpu.memory_space<vmem>>, %arg6: memref<1x128xf32, #tpu.memory_space<vmem>>, %arg7: memref<10000x128xf32, #tpu.memory_space<vmem>>) attributes {dimension_semantics = [], scalar_prefetch = 0 : i64, scratch_operands = 0 : i64, tpu.core_type = #tpu.core_type<tc>} {
    %get3A = arith.constant 0 : index
    %get3A_0 = arith.constant 0 : index
    %get3A_1 = vector.load %arg0[%get3A, %get3A_0] : memref<10000x128xf32, #tpu.memory_space<vmem>>, vector<10000x128xf32>
    %get3A_2 = arith.constant 0 : index
    %get3A_3 = arith.constant 0 : index
    %get3A_4 = vector.load %arg1[%get3A_2, %get3A_3] : memref<10000x128xf32, #tpu.memory_space<vmem>>, vector<10000x128xf32>
    %add3A = arith.addf %get3A_1, %get3A_4 : vector<10000x128xf32>
    %get3A_5 = arith.constant 0 : index
    %get3A_6 = arith.constant 0 : index
    %get3A_7 = vector.load %arg2[%get3A_5, %get3A_6] : memref<1x128xf32, #tpu.memory_space<vmem>>, vector<1x128xf32>
    %add3A_8 = vector.broadcast %get3A_7 : vector<1x128xf32> to vector<10000x128xf32>
    %add3A_9 = arith.addf %add3A, %add3A_8 : vector<10000x128xf32>
    %max3A = arith.constant 0.000000e+00 : f32
    %max3A_10 = vector.broadcast %max3A : f32 to vector<10000x128xf32>
    %max3A_11 = arith.maximumf %add3A_9, %max3A_10 : vector<10000x128xf32>
    %get3A_12 = arith.constant 0 : index
    %get3A_13 = arith.constant 0 : index
    %get3A_14 = vector.load %arg3[%get3A_12, %get3A_13] : memref<128x128xf32, #tpu.memory_space<vmem>>, vector<128x128xf32>
    %dot_general3A = arith.constant dense<0.000000e+00> : vector<10000x128xf32>
    %dot_general3A_15 = tpu.matmul %max3A_11, %get3A_14, %dot_general3A {dimension_numbers = #tpu.dot_dimension_numbers<[1], [0], [0], [1], [0, 0, 1, 1], [], []>, precision = #tpu.contract_precision<fp32>, transpose_lhs_hint = false} : vector<10000x128xf32>, vector<128x128xf32>, vector<10000x128xf32> -> vector<10000x128xf32>
    %get3A_16 = arith.constant 0 : index
    %get3A_17 = arith.constant 0 : index
    %get3A_18 = vector.load %arg4[%get3A_16, %get3A_17] : memref<1x128xf32, #tpu.memory_space<vmem>>, vector<1x128xf32>
    %add3A_19 = vector.broadcast %get3A_18 : vector<1x128xf32> to vector<10000x128xf32>
    %add3A_20 = arith.addf %dot_general3A_15, %add3A_19 : vector<10000x128xf32>
    %min3A = arith.constant 0.000000e+00 : f32
    %min3A_21 = vector.broadcast %min3A : f32 to vector<10000x128xf32>
    %min3A_22 = arith.minimumf %add3A_20, %min3A_21 : vector<10000x128xf32>
    %exp3A = math.exp %min3A_22 : vector<10000x128xf32>
    %sub3A = arith.constant 1.000000e+00 : f32
    %sub3A_23 = vector.broadcast %sub3A : f32 to vector<10000x128xf32>
    %sub3A_24 = arith.subf %exp3A, %sub3A_23 : vector<10000x128xf32>
    %mul3A = arith.constant 1.67326319 : f32
    %mul3A_25 = vector.broadcast %mul3A : f32 to vector<10000x128xf32>
    %mul3A_26 = arith.mulf %mul3A_25, %sub3A_24 : vector<10000x128xf32>
    %gt3A = arith.constant 0.000000e+00 : f32
    %gt3A_27 = vector.broadcast %gt3A : f32 to vector<10000x128xf32>
    %gt3A_28 = arith.cmpf ogt, %add3A_20, %gt3A_27 : vector<10000x128xf32>
    %select_n3A = arith.select %gt3A_28, %add3A_20, %mul3A_26 : vector<10000x128xi1>, vector<10000x128xf32>
    %mul3A_29 = arith.constant 1.05070102 : f32
    %mul3A_30 = vector.broadcast %mul3A_29 : f32 to vector<10000x128xf32>
    %mul3A_31 = arith.mulf %mul3A_30, %select_n3A : vector<10000x128xf32>
    %get3A_32 = arith.constant 0 : index
    %get3A_33 = arith.constant 0 : index
    %get3A_34 = vector.load %arg5[%get3A_32, %get3A_33] : memref<1x128xf32, #tpu.memory_space<vmem>>, vector<1x128xf32>
    %get3A_35 = arith.constant 0 : index
    %get3A_36 = arith.constant 0 : index
    %get3A_37 = vector.load %arg6[%get3A_35, %get3A_36] : memref<1x128xf32, #tpu.memory_space<vmem>>, vector<1x128xf32>
    %reduce_sum3A = arith.constant dense<0.000000e+00> : vector<128xf32>
    %reduce_sum3A_38 = vector.multi_reduction <add>, %mul3A_31, %reduce_sum3A [0] : vector<10000x128xf32> to vector<128xf32>
    %div3A = arith.constant 1.000000e+04 : f32
    %div3A_39 = vector.broadcast %div3A : f32 to vector<128xf32>
    %div3A_40 = arith.divf %reduce_sum3A_38, %div3A_39 : vector<128xf32>
    %jit3A = arith.constant 0 : i32
    %reduce_sum3A_41 = arith.constant dense<0.000000e+00> : vector<128xf32>
    %reduce_sum3A_42 = vector.multi_reduction <add>, %mul3A_31, %reduce_sum3A_41 [0] : vector<10000x128xf32> to vector<128xf32>
    %broadcast_in_dim3A = vector.shape_cast %reduce_sum3A_42 : vector<128xf32> to vector<1x128xf32>
    %div3A_43 = arith.constant 1.000000e+04 : f32
    %div3A_44 = vector.broadcast %div3A_43 : f32 to vector<1x128xf32>
    %div3A_45 = arith.divf %broadcast_in_dim3A, %div3A_44 : vector<1x128xf32>
    %sub3A_46 = vector.broadcast %div3A_45 : vector<1x128xf32> to vector<10000x128xf32>
    %sub3A_47 = arith.subf %mul3A_31, %sub3A_46 : vector<10000x128xf32>
    %square3A = arith.mulf %sub3A_47, %sub3A_47 : vector<10000x128xf32>
    %convert_element_type3A = arith.sitofp %jit3A : i32 to f32
    %sub3A_48 = arith.constant 1.000000e+04 : f32
    %sub3A_49 = arith.subf %sub3A_48, %convert_element_type3A : f32
    %reduce_sum3A_50 = arith.constant dense<0.000000e+00> : vector<128xf32>
    %reduce_sum3A_51 = vector.multi_reduction <add>, %square3A, %reduce_sum3A_50 [0] : vector<10000x128xf32> to vector<128xf32>
    %div3A_52 = vector.broadcast %sub3A_49 : f32 to vector<128xf32>
    %div3A_53 = arith.divf %reduce_sum3A_51, %div3A_52 : vector<128xf32>
    %gt3A_54 = arith.constant 0.000000e+00 : f32
    %gt3A_55 = arith.cmpf ogt, %sub3A_49, %gt3A_54 : f32
    %jit3A_56 = arith.constant 0x7FC00000 : f32
    %broadcast_in_dim3A_57 = vector.broadcast %jit3A_56 : f32 to vector<128xf32>
    %select_n3A_58 = arith.select %gt3A_55, %div3A_53, %broadcast_in_dim3A_57 : vector<128xf32>
    %broadcast_in_dim3A_59 = vector.shape_cast %div3A_40 : vector<128xf32> to vector<1x128xf32>
    %sub3A_60 = vector.broadcast %broadcast_in_dim3A_59 : vector<1x128xf32> to vector<10000x128xf32>
    %sub3A_61 = arith.subf %mul3A_31, %sub3A_60 : vector<10000x128xf32>
    %add3A_62 = arith.constant 9.99999974E-6 : f32
    %add3A_63 = vector.broadcast %add3A_62 : f32 to vector<128xf32>
    %add3A_64 = arith.addf %select_n3A_58, %add3A_63 : vector<128xf32>
    %sqrt3A = math.sqrt %add3A_64 : vector<128xf32>
    %broadcast_in_dim3A_65 = vector.shape_cast %sqrt3A : vector<128xf32> to vector<1x128xf32>
    %div3A_66 = vector.broadcast %broadcast_in_dim3A_65 : vector<1x128xf32> to vector<10000x128xf32>
    %div3A_67 = arith.divf %sub3A_61, %div3A_66 : vector<10000x128xf32>
    %mul3A_68 = vector.broadcast %get3A_34 : vector<1x128xf32> to vector<10000x128xf32>
    %mul3A_69 = arith.mulf %div3A_67, %mul3A_68 : vector<10000x128xf32>
    %add3A_70 = vector.broadcast %get3A_37 : vector<1x128xf32> to vector<10000x128xf32>
    %add3A_71 = arith.addf %mul3A_69, %add3A_70 : vector<10000x128xf32>
    %swap3A = arith.constant 0 : index
    %swap3A_72 = arith.constant 0 : index
    %swap3A_73 = vector.load %arg7[%swap3A, %swap3A_72] : memref<10000x128xf32, #tpu.memory_space<vmem>>, vector<10000x128xf32>
    tpu.vector_store %arg7[%swap3A, %swap3A_72], %add3A_71 {strides = array<i32>} : memref<10000x128xf32, #tpu.memory_space<vmem>>, vector<10000x128xf32>,
    return
  }
}

</mosaic_0001>

<sc_bundles>
// kernel: kernel.10.cloned.1.call-start
scs
__scs_entry_jumppad:
0x0: {  	(pc) =	sbr.rel $0x88, $3  }
0x1: {  	(tag) =	ssettag $0x0;
	lr =	simm.s32 $0x1  }
0x2: {  	[smem:$0x3F93] =	sst lr;
	_ =	strace $0xD0000000  }
0x3: {  	_ = 	snop  }
0x4: {  	_ = 	snop  }
0x5: {  	_ = 	snop  }
0x6: {  	_ = 	snop  }
0x7: {  	_ = 	snop  }
__scs_overlays_trampoline_lowered:
0x8: {  	[smem:$0x3FA2] =	sst s0  }
0x9: {  	[smem:$0x3FA3] =	sst s1  }
0xa: {  	[smem:$0x3FA4] =	sst s2  }
0xb: {  	[smem:$0x3FA5] =	sst s3  }
0xc: {  	[smem:$0x3FA6] =	sst s4  }
0xd: {  	[smem:$0x3FA7] =	sst s5  }
0xe: {  	[smem:$0x3FA8] =	sst s6  }
0xf: {  	[smem:$0x3FA9] =	sst s7  }
0x10: {  	[smem:$0x3FAA] =	sst s8  }
0x11: {  	[smem:$0x3FAB] =	sst s9;
	s0 =	simm.s32 @!p0 $0x0  }
0x12: {  	s1 =	sld [smem:$0x3F91];
	s0 =	simm.s32 @p0 $0x1  }
0x13: {  	[smem:$0x3FAC] =	sst s0;
	s0 =	simm.s32 @!p1 $0x0  }
0x14: {  	s2 =	sld [smem:$0x3F90];
	s0 =	simm.s32 @p1 $0x1  }
0x15: {  	[smem:$0x3FAD] =	sst s0;
	s0 =	simm.s32 @!p2 $0x0  }
0x16: {  	s3 =	sld [smem:$0x3FDB];
	s0 =	simm.s32 @p2 $0x1  }
0x17: {  	s4 =	simm.s32 $0x1BF5;
	[smem:$0x3FAF] =	sst s0  }
0x18: {  	s0 =	sld [smem:$0x3F92];
	_ =	swait.ge [sflag:s4], $0x0  }
0x19: {  	s7 =	sld [smem:$0x3F93]  }
0x1a: {  	s8 =	sadd.s32 $0xFFFFE003, lr  }
0x1b: {  	s9 =	sadd.s32 $0xFFFFFEF7, lr;
	s5 =	simm.s32 $0xFFFFFFFF;
	p2 =	slt.u32 s8, $0xFFFFF086  }
0x1c: {  	p1 =	slt.u32 s9, $0xF7A;
	s5 =	simm.s32 @!p2 $0x0  }
0x1d: {  	s5 =	simm.s32 @p1 $0x1;
	p0 =	seq.s32 s7, s2  }
0x1e: {  	s7 =	smul.u32 @!p0 $0xF7A, s2;
	p2 =	seq.s32 @!p0 s5, $0x0  }
0x1f: {  	s9 =	smul.u32 $0xF7A, s1;
	s8 =	simm.s32 @!p0 $0x1BF5;
	p2 =	por !p2, p0  }
0x20: {  	[sflag:s8] =	ssyncset.s32 @!p0 $0xFFFFF086;
	s6 =	sadd.s32 @!p0 s3, s7;
	s7 =	simm.s32 @!p0 $0x108  }
0x21: {  	s3 =	sadd.s32 s3, s9;
	s6 =	sadd.s32 @!p0 $0x88, s6;
	s7 =	simm.s32 @p2 $0x1082  }
0x22: {  	[simem:s7], [sflag:s8] =	dma.local @!p0 [hbm:s6], $0xF7A  }
0x23: {  	s9 =	sor.u32 $0xD0000000, s2;
	s6 =	simm.s32 $0x108;
	_ =	swait.ge @!p0 [sflag:s8], $0x0  }
0x24: {  	s3 =	sadd.s32 $0x88, s3;
	s6 =	simm.s32 @!p1 $0x1082;
	[sflag:s4] =	ssyncset.s32 $0xFFFFF086  }
0x25: {  	[simem:s6], [sflag:s4] =	dma.local [hbm:s3], $0xF7A  }
0x26: {  	[smem:$0x3F93] =	sst s1;
	(tag) =	ssettag s2;
	_ =	strace s9  }
0x27: {  	s1 =	sld [smem:$0x3FA3]  }
0x28: {  	s2 =	sld [smem:$0x3FA4]  }
0x29: {  	s4 =	sld [smem:$0x3FA6]  }
0x2a: {  	p0 =	seq.s32 s5, $0x0;
	s5 =	sld [smem:$0x3FA7]  }
0x2b: {  	s6 =	sld [smem:$0x3FA8]  }
0x2c: {  	s7 =	sld [smem:$0x3FA9]  }
0x2d: {  	s3 =	simm.s32 $0x108;
	s8 =	sld [smem:$0x3FAA]  }
0x2e: {  	s3 =	simm.s32 @!p0 $0x1082;
	s9 =	sld [smem:$0x3FAB]  }
0x2f: {  	lr =	sadd.s32 s0, s3;
	s0 =	sld [smem:$0x3FA2]  }
0x30: {  	s3 =	sld [smem:$0x3FA5]  }
0x31: {  	[smem:$0x3FAE] =	sst s10  }
0x32: {  	s10 =	sld [smem:$0x3FAC];
	_ =	sdelay $0x3  }
0x33: {  	p0 =	seq.s32 s10, $0x1;
	s10 =	sld [smem:$0x3FAE];
	_ =	sdelay $0x3  }
0x34: {  	[smem:$0x3FAE] =	sst s10  }
0x35: {  	s10 =	sld [smem:$0x3FAD];
	_ =	sdelay $0x3  }
0x36: {  	p1 =	seq.s32 s10, $0x1;
	s10 =	sld [smem:$0x3FAE];
	_ =	sdelay $0x3  }
0x37: {  	[smem:$0x3FAE] =	sst s10  }
0x38: {  	s10 =	sld [smem:$0x3FAF]  }
0x39: {  	_ = 	snop;
	(pc) =	sbr.ind lr, $3  }
0x3a: {  	_ = 	snop  }
0x3b: {  	_ = 	snop  }
0x3c: {  	p2 =	seq.s32 s10, $0x1;
	s10 =	sld [smem:$0x3FAE]  }
0x3d: {  	_ =	shalt  }
0x3e: {  	_ =	shalt  }
0x3f: {  	_ =	shalt  }
0x40: {  	_ =	shalt  }
0x41: {  	_ =	shalt  }
0x42: {  	_ =	shalt  }
0x43: {  	_ =	shalt  }
0x44: {  	_ =	shalt  }
0x45: {  	_ =	shalt  }
0x46: {  	_ =	shalt  }
0x47: {  	_ =	shalt  }
0x48: {  	_ =	shalt  }
0x49: {  	_ =	shalt  }
0x4a: {  	_ =	shalt  }
0x4b: {  	_ =	shalt  }
0x4c: {  	_ =	shalt  }
0x4d: {  	_ =	shalt  }
0x4e: {  	_ =	shalt  }
0x4f: {  	_ =	shalt  }
0x50: {  	_ =	shalt  }
0x51: {  	_ =	shalt  }
0x52: {  	_ =	shalt  }
0x53: {  	_ =	shalt  }
0x54: {  	_ =	shalt  }
0x55: {  	_ =	shalt  }
0x56: {  	_ =	shalt  }
0x57: {  	_ =	shalt  }
0x58: {  	_ =	shalt  }
0x59: {  	_ =	shalt  }
0x5a: {  	_ =	shalt  }
0x5b: {  	_ =	shalt  }
0x5c: {  	_ =	shalt  }
0x5d: {  	_ =	shalt  }
0x5e: {  	_ =	shalt  }
0x5f: {  	_ =	shalt  }
0x60: {  	_ =	shalt  }
0x61: {  	_ =	shalt  }
0x62: {  	_ =	shalt  }
0x63: {  	_ =	shalt  }
0x64: {  	_ =	shalt  }
0x65: {  	_ =	shalt  }
0x66: {  	_ =	shalt  }
0x67: {  	_ =	shalt  }
0x68: {  	_ =	shalt  }
0x69: {  	_ =	shalt  }
0x6a: {  	_ =	shalt  }
0x6b: {  	_ =	shalt  }
0x6c: {  	_ =	shalt  }
0x6d: {  	_ =	shalt  }
0x6e: {  	_ =	shalt  }
0x6f: {  	_ =	shalt  }
0x70: {  	_ =	shalt  }
0x71: {  	_ =	shalt  }
0x72: {  	_ =	shalt  }
0x73: {  	_ =	shalt  }
0x74: {  	_ =	shalt  }
0x75: {  	_ =	shalt  }
0x76: {  	_ =	shalt  }
0x77: {  	_ =	shalt  }
0x78: {  	_ =	shalt  }
0x79: {  	_ =	shalt  }
0x7a: {  	_ =	shalt  }
0x7b: {  	_ =	shalt  }
0x7c: {  	_ =	shalt  }
0x7d: {  	_ =	shalt  }
0x7e: {  	_ =	shalt  }
0x7f: {  	_ =	shalt  }
0x80: {  	_ =	shalt  }
0x81: {  	_ =	shalt  }
0x82: {  	_ =	shalt  }
0x83: {  	_ =	shalt  }
0x84: {  	_ =	shalt  }
0x85: {  	_ =	shalt  }
0x86: {  	_ =	shalt  }
0x87: {  	_ =	shalt  }
.Lfunc_end0:
.L_simem_size_0:
called_computation.1_lowered:
.L_overlay_start_0:
0x88: {  	s2 =	sld [smem:$0x3FD9]  }
0x89: {  	s3 =	sld [smem:$0x3FFE];
	_ =	sdelay $0x1  }
0x8a: {  	s1 =	srdreg.scid  }
0x8b: {  	s0 =	sand.u32 $0x1, s1  }
0x8c: {  	s17 =	sshll.u32 s0, $0xA;
	s2 =	sadd.s32 s3, s2  }
0x8d: {  	s2 =	sadd.s32 s2, s17  }
0x8e: {  	[smem:$0x3FBA] =	sst s2  }
0x8f: {  	_ = 	snop  }
0x90: {  	s2 =	sld [smem:$0x3FD0];
	(tm) =	ssettm $0x1  }
0x91: {  	s18 =	sld [smem:$0x3FFB];
	_ =	sdelay $0x3  }
0x92: {  	_ =	strace s18  }
0x93: {  	s3 =	sld [smem:$0x3FFC];
	_ =	sdelay $0x3  }
0x94: {  	_ =	strace s3  }
0x95: {  	s3 =	sld [smem:$0x3FFD];
	_ =	sdelay $0x3  }
0x96: {  	_ =	strace s3  }
0x97: {  	_ =	strace $0x8FFFFFFF  }
0x98: {  	s19 =	sld [smem:$0x3FDB];
	_ =	sdelay $0x1  }
0x99: {  	s4 =	simm.s32 $_scs_section_size  }
0x9a: {  	s5 =	simm.s32 $_size__tile_overlayer_lowered;
	s6 =	simm.s32 $_tile_overlayer_lowered  }
0x9b: {  	s22 =	simm.s32 $0x1BFF;
	s21 =	sshll.u32 s6, $0x1;
	s3 =	sadd.s32 s4, s19  }
0x9c: {  	s7 =	simm.s32 $0x0;
	s20 =	sshll.u32 s5, $0x1;
	s5 =	sadd.s32 s21, s3  }
0x9d: {  	[timem:s7], [sflag:s22] =	dma.local [hbm:s5], s20  }
0x9e: {  	_ =	swait.ge [sflag:s22], s20  }
0x9f: {  	s4 =	ssub.s32 $0x0, s20;
	[sflag:s22] =	ssyncset.done $0x0  }
0xa0: {  	[sflag:s22] =	ssyncadd.s32 s4;
	_ =	sdelay $0x1  }
0xa1: {  	s23 =	simm.s32 $0x1B8B  }
0xa2: {  	_ =	swait.ge [sflag:s23], $0x1  }
0xa3: {  	[sflag:s23] =	ssyncset.done $0x0  }
0xa4: {  	s25 =	simm.s32 $0x1B8E;
	s24 =	sld [smem:$0x3FFE];
	[sflag:s23] =	ssyncadd.s32 $0xFFFFFFFF  }
0xa5: {  	s26 =	simm.s32 $execute0_lowered;
	[smem:$0x3FD2] =	sst s25  }
0xa6: {  	s5 =	sshll.u32 s26, $0x1;
	_ =	strace $0x80000049;
	[dreg:$0x1] =	wrdreg $0xFFFFFFFF  }
0xa7: {  	s28 =	simm.s32 $_size_execute0_lowered;
	s3 =	sadd.s32 s3, s5;
	[dreg:$0x0] =	wrdreg $0x0  }
0xa8: {  	s5 =	sshll.u32 s28, $0x1;
	[dreg:$0x2] =	wrdreg s3  }
0xa9: {  	[dreg:$0x3] =	wrdreg s5  }
0xaa: {  	[dreg:$0x4] =	wrdreg $0xC0  }
0xab: {  	_ =	task [dreg:s7], $0x5FFFF  }
0xac: {  	[dreg:$0x1] =	wrdreg $0xFFFFFFFF  }
0xad: {  	[dreg:$0x0] =	wrdreg $0x60  }
0xae: {  	[dreg:$0x2] =	wrdreg s24  }
0xaf: {  	[dreg:$0x3] =	wrdreg s2  }
0xb0: {  	[dreg:$0x4] =	wrdreg $0x90000  }
0xb1: {  	[dreg:$0x5] =	wrdreg $0x9  }
0xb2: {  	_ =	task.clear_ibuf [dreg:s7], $0x6FFFF;
	_ =	strace $0x90000049  }
0xb3: {  	s29 =	simm.s32 $0x9;
	_ =	strace $0x8000004B  }
0xb4: {  	_ =	swait.ge [sflag:s29], $0x1  }
0xb5: {  	[sflag:s29] =	ssyncadd.s32 $0xFFFFFFFF  }
0xb6: {  	_ =	strace $0x9000004B  }
0xb7: {  	_ =	sfence  }
0xb8: {  	s30 =	sld [smem:$0x0];
	_ =	sdelay $0x2  }
0xb9: {  	s31 =	sshll.u32 s1, $0xD;
	s1 =	sshrl.u32 s1, $0x2  }
0xba: {  	s3 =	sand.u32 $0x4000, s31;
	s1 =	sadd.s32 s1, s30  }
0xbb: {  	s0 =	sor.u32 s3, s0;
	s1 =	sshll.u32 s1, $0x11  }
0xbc: {  	s0 =	sor.u32 s1, s0  }
0xbd: {  	s0 =	sadd.s32 $0x8F2B, s0  }
0xbe: {  	[sflag:s0] =	ssyncadd.remote.s32 $0x1  }
0xbf: {  	_ =	sfence.sel $0xFFFF  }
0xc0: {  	[dreg:$0x0] =	wrdreg $0xFFFFFFFF;
	(pc) =	sbr.abs _section_cstart, $3  }
0xc1: {  	[dreg:$0x1] =	wrdreg $0xFFFFFFFF  }
0xc2: {  	_ =	task.clear_ibuf [dreg:s7], $0x2FFFF;
	_ =	strace $0x9FFFFFFF  }
0xc3: {  	(tm) =	ssettm $0x7FFFFFFF  }
tec
execute0_lowered:
.L_overlay_start_1:
0x0: {  	(tag) =	ssettag $0x1  }
0x1: {  	s10 =	rddreg [dreg:$0x0]  }
0x2: {  	s5 =	rddreg [dreg:$0x1]  }
0x3: {  	s1 =	rddreg [dreg:$0x2]  }
0x4: {  	s0 =	rddreg [dreg:$0x3]  }
0x5: {  	s3 =	simm.s32 $0x0;
	s4 =	srdreg.scid;
	s2 =	stileid.u32  }
0x6: {  	s17 =	simm.s32 $0x4000;
	s18 =	simm.s32 $0x6800;
	s19 =	simm.s32 $0x1  }
0x7: {  	s20 =	simm.s32 $0x2;
	s21 =	simm.s32 $0x1F80;
	s22 =	simm.s32 $0x3F00  }
0x8: {  	s23 =	simm.s32 $0x3F80;
	s24 =	simm.s32 $0x0;
	[smem:$0x7FF] =	sst s3  }
0x9: {  	s7 =	sand.u32 $0x1, s4;
	s4 =	sadd.s32 $0x23600, s10;
	s8 =	smul.u32 $0x4F000, s2  }
0xa: {  	s9 =	sadd.s32 $0x13600, s10;
	s12 =	smul.u32 $0x2780, s2;
	s13 =	sadd.s32 $0x3600, s10  }
0xb: {  	s30 =	sshll.u32 s2, $0x6;
	s15 =	sshll.u32 s2, $0xB;
	_ =	strace $0x8000004A  }
0xc: {  	s6 =	ssub.s32 $0x2, s7;
	s31 =	sshll.u32 s7, $0xF;
	p0 =	seq.s32 s7, $0x1  }
0xd: {  	s11 =	sshrl.u32 s6, $0x1;
	s29 =	sshrl.u32 s8, $0x2;
	s5 =	sadd.s32 s5, s12  }
0xe: {  	s8 =	sor.u32 s15, s31;
	s15 =	simm.s32 $0x72000;
	s11 =	ssub.s32 s6, s11  }
0xf: {  	s14 =	sadd.s32 s29, s1;
	s6 =	sor.u32 $0x1C03, s30;
	s7 =	sadd.s32 s9, s8  }
0x10: {  	s16 =	sor.u32 $0x400, s8;
	s15 =	simm.s32 @!p0 $0x4A800;
	s8 =	sadd.s32 s13, s8  }
0x11: {  	s9 =	sadd.s32 s9, s16;
	s15 =	sadd.s32 s15, s10;
	s10 =	sadd.s32 s13, s16  }
0x12: {  	s11 =	smax.u32 s11, $0x1;
	s13 =	sshrl.u32 s14, $0x3;
	s14 =	simm.s32 $0x3  }
0x13: {  	s16 =	simm.s32 $0x50;
	s12 =	sadd.s32 s15, s12;
	s15 =	simm.s32 $0x2000  }
.LBB2_1:
0x14: {  	[spmem:s13], [sflag:s6] =	dma.local [hbm:s5], $0x2780  }
0x15: {  	_ =	swait.ge [sflag:s14], $0x2780  }
0x16: {  	[sflag:s14] =	ssyncset.done $0x0  }
0x17: {  	[sflag:s14] =	ssyncadd.s32 $0xFFFFD880  }
0x18: {  	[bflag:$0x0] =	sbarrier.arrive $0xFFFF  }
0x19: {  	[tilespmem:s3], [sflag:$0x3] =	stream.linear.gather [hbm4b:s7+s3], $0x2000, $0x38;
	[tilespmem:$0x1CC00] =	vst v63  }
0x1a: {  	_ =	swait.ge [sflag:s14], $0x2000  }
0x1b: {  	[sflag:s14] =	ssyncset.done $0x0  }
0x1c: {  	[sflag:s14] =	ssyncadd.s32 $0xFFFFE000  }
0x1d: {  	[tilespmem:s15], [sflag:$0x3] =	stream.linear.gather [hbm4b:s8+s3], $0x2000, $0x38;
	[tilespmem:$0x1CC00] =	vst v63  }
0x1e: {  	_ =	swait.ge [sflag:s14], $0x2000  }
0x1f: {  	[sflag:s14] =	ssyncset.done $0x0  }
0x20: {  	[sflag:s14] =	ssyncadd.s32 $0xFFFFE000  }
0x21: {  	[tilespmem:s17], [sflag:$0x1] =	stream.indirect.gather [hbm4b:s4+s16], $0x80, s3, s16, $0xb8;
	[tilespmem:$0x1CC00] =	vst v63  }
0x22: {  	s25 =	simm.s32 $0x80  }
0x23: {  	[tilespmem:s18], [sflag:$0x2] =	stream.indirect.gather [hbm4b:s4+s16], $0x80, s25, s16, $0xb8;
	[tilespmem:$0x1CC00] =	vst v63  }
0x24: {  	_ =	swait.ge [sflag:s19], $0x2800  }
0x25: {  	[sflag:s19] =	ssyncset.done $0x0  }
0x26: {  	s29 =	simm.s32 $0x2000;
	[sflag:s19] =	ssyncadd.s32 $0xFFFFD800  }
0x27: {  	[spmem:s1] =	stream.indirect.scatter.add.f32 [tilespmem:s17], [sflag:$0x3], $0x80, s29, s16, $0xb8;
	[tilespmem:$0x1CC00] =	vst v63  }
0x28: {  	_ =	swait.ge [sflag:s14], $0x2800  }
0x29: {  	[sflag:s14] =	ssyncset.done $0x0  }
0x2a: {  	s30 =	simm.s32 $0x100;
	[sflag:s14] =	ssyncadd.s32 $0xFFFFD800  }
0x2b: {  	[tilespmem:s17], [sflag:$0x1] =	stream.indirect.gather [hbm4b:s4+s16], $0x80, s30, s16, $0xb8;
	[tilespmem:$0x1CC00] =	vst v63  }
0x2c: {  	_ =	swait.ge [sflag:s20], $0x2800  }
0x2d: {  	[sflag:s20] =	ssyncset.done $0x0  }
0x2e: {  	s31 =	simm.s32 $0x2080;
	[sflag:s20] =	ssyncadd.s32 $0xFFFFD800  }
0x2f: {  	[spmem:s1] =	stream.indirect.scatter.add.f32 [tilespmem:s18], [sflag:$0x3], $0x80, s31, s16, $0xb8;
	[tilespmem:$0x1CC00] =	vst v63  }
0x30: {  	_ =	swait.ge [sflag:s14], $0x2800  }
0x31: {  	s26 =	simm.s32 $0x800;
	s25 =	simm.s32 $0x100;
	[sflag:s14] =	ssyncset.done $0x0  }
.LBB2_2:
0x32: {  	s28 =	sadd.s32 $0x80, s25  }
0x33: {  	[sflag:s14] =	ssyncadd.s32 $0xFFFFD800;
	s29 =	smov.u32 s26;
	s30 =	sadd.s32 $0x400, s26  }
0x34: {  	[tilespmem:s18], [sflag:$0x2] =	stream.indirect.gather [hbm4b:s4+s16], $0x80, s28, s16, $0xb8;
	[tilespmem:$0x1CC00] =	vst v63  }
0x35: {  	p0 =	sne.s32 s26, $0x7800;
	_ =	swait.ge [sflag:s19], $0x2800  }
0x36: {  	[sflag:s19] =	ssyncset.done $0x0  }
0x37: {  	s26 =	sadd.s32 $0x2000, s25;
	[sflag:s19] =	ssyncadd.s32 $0xFFFFD800  }
0x38: {  	[spmem:s1] =	stream.indirect.scatter.add.f32 [tilespmem:s17], [sflag:$0x3], $0x80, s26, s16, $0xb8;
	[tilespmem:$0x1CC00] =	vst v63  }
0x39: {  	_ =	swait.ge [sflag:s14], $0x2800  }
0x3a: {  	[sflag:s14] =	ssyncset.done $0x0  }
0x3b: {  	s26 =	sadd.s32 $0x100, s25;
	[sflag:s14] =	ssyncadd.s32 $0xFFFFD800  }
0x3c: {  	[tilespmem:s17], [sflag:$0x1] =	stream.indirect.gather [hbm4b:s4+s16], $0x80, s26, s16, $0xb8;
	[tilespmem:$0x1CC00] =	vst v63  }
0x3d: {  	_ =	swait.ge [sflag:s20], $0x2800  }
.Ltmp0:
0x3e: {  	[sflag:s20] =	ssyncset.done $0x0;
	(pc) =	sbr.rel @p0 .LBB2_2-.Ltmp0, $4  }
0x3f: {  	s25 =	sadd.s32 $0x2080, s25;
	[sflag:s20] =	ssyncadd.s32 $0xFFFFD800  }
0x40: {  	[spmem:s1] =	stream.indirect.scatter.add.f32 [tilespmem:s18], [sflag:$0x3], $0x80, s25, s16, $0xb8;
	[tilespmem:$0x1CC00] =	vst v63  }
0x41: {  	_ =	swait.ge [sflag:s14], $0x2800  }
0x42: {  	s26 =	smov.u32 s30;
	s25 =	sshra.s32 s29, $0x2;
	[sflag:s14] =	ssyncset.done $0x0  }
0x43: {  	s26 =	sadd.s32 $0x80, s25;
	[sflag:s14] =	ssyncadd.s32 $0xFFFFD800  }
0x44: {  	[tilespmem:s18], [sflag:$0x2] =	stream.indirect.gather [hbm4b:s4+s16], $0x80, s26, s16, $0xb8;
	[tilespmem:$0x1CC00] =	vst v63  }
0x45: {  	_ =	swait.ge [sflag:s19], $0x2800  }
0x46: {  	[sflag:s19] =	ssyncset.done $0x0  }
0x47: {  	s29 =	sadd.s32 $0x2000, s25;
	[sflag:s19] =	ssyncadd.s32 $0xFFFFD800  }
0x48: {  	[spmem:s1] =	stream.indirect.scatter.add.f32 [tilespmem:s17], [sflag:$0x3], $0x80, s29, s16, $0xb8;
	[tilespmem:$0x1CC00] =	vst v63  }
0x49: {  	_ =	swait.ge [sflag:s14], $0x2800  }
0x4a: {  	[sflag:s14] =	ssyncset.done $0x0  }
0x4b: {  	s30 =	sadd.s32 $0x100, s25;
	[sflag:s14] =	ssyncadd.s32 $0xFFFFD800  }
0x4c: {  	[tilespmem:s17], [sflag:$0x1] =	stream.indirect.gather [hbm4b:s4+s16], $0x80, s30, s16, $0xb8;
	[tilespmem:$0x1CC00] =	vst v63  }
0x4d: {  	_ =	swait.ge [sflag:s20], $0x2800  }
0x4e: {  	[sflag:s20] =	ssyncset.done $0x0  }
0x4f: {  	s31 =	sadd.s32 $0x2080, s25;
	[sflag:s20] =	ssyncadd.s32 $0xFFFFD800  }
0x50: {  	[spmem:s1] =	stream.indirect.scatter.add.f32 [tilespmem:s18], [sflag:$0x3], $0x80, s31, s16, $0xb8;
	[tilespmem:$0x1CC00] =	vst v63  }
0x51: {  	_ =	swait.ge [sflag:s14], $0x2800  }
0x52: {  	[sflag:s14] =	ssyncset.done $0x0  }
0x53: {  	[sflag:s14] =	ssyncadd.s32 $0xFFFFD800  }
0x54: {  	[tilespmem:s18], [sflag:$0x2] =	stream.indirect.gather [hbm4b:s4+s16], $0x80, s21, s16, $0xb8;
	[tilespmem:$0x1CC00] =	vst v63  }
0x55: {  	_ =	swait.ge [sflag:s19], $0x2800  }
0x56: {  	[sflag:s19] =	ssyncset.done $0x0  }
0x57: {  	[sflag:s19] =	ssyncadd.s32 $0xFFFFD800  }
0x58: {  	[spmem:s1] =	stream.indirect.scatter.add.f32 [tilespmem:s17], [sflag:$0x3], $0x80, s22, s16, $0xb8;
	[tilespmem:$0x1CC00] =	vst v63  }
0x59: {  	_ =	swait.ge [sflag:s14], $0x2800  }
0x5a: {  	[sflag:s14] =	ssyncset.done $0x0  }
0x5b: {  	[sflag:s14] =	ssyncadd.s32 $0xFFFFD800  }
0x5c: {  	_ =	swait.ge [sflag:s20], $0x2800  }
0x5d: {  	[sflag:s20] =	ssyncset.done $0x0  }
0x5e: {  	[sflag:s20] =	ssyncadd.s32 $0xFFFFD800  }
0x5f: {  	[spmem:s1] =	stream.indirect.scatter.add.f32 [tilespmem:s18], [sflag:$0x3], $0x80, s23, s16, $0xb8;
	[tilespmem:$0x1CC00] =	vst v63  }
0x60: {  	_ =	swait.ge [sflag:s14], $0x2800  }
0x61: {  	[sflag:s14] =	ssyncset.done $0x0  }
0x62: {  	s26 =	simm.s32 $0x0;
	[sflag:s14] =	ssyncadd.s32 $0xFFFFD800  }
0x63: {  	[tilespmem:s26], [sflag:$0x3] =	stream.linear.gather [hbm4b:s9+s26], $0x2000, $0x38;
	[tilespmem:$0x1CC00] =	vst v63  }
0x64: {  	_ =	swait.ge [sflag:s14], $0x2000  }
0x65: {  	[sflag:s14] =	ssyncset.done $0x0  }
0x66: {  	[sflag:s14] =	ssyncadd.s32 $0xFFFFE000  }
0x67: {  	[tilespmem:s15], [sflag:$0x3] =	stream.linear.gather [hbm4b:s10+s26], $0x2000, $0x38;
	[tilespmem:$0x1CC00] =	vst v63  }
0x68: {  	_ =	swait.ge [sflag:s14], $0x2000  }
0x69: {  	[sflag:s14] =	ssyncset.done $0x0  }
0x6a: {  	[sflag:s14] =	ssyncadd.s32 $0xFFFFE000  }
0x6b: {  	[tilespmem:s17], [sflag:$0x1] =	stream.indirect.gather [hbm4b:s4+s16], $0x80, s26, s16, $0xb8;
	[tilespmem:$0x1CC00] =	vst v63  }
0x6c: {  	s28 =	simm.s32 $0x80  }
0x6d: {  	[tilespmem:s18], [sflag:$0x2] =	stream.indirect.gather [hbm4b:s4+s16], $0x80, s28, s16, $0xb8;
	[tilespmem:$0x1CC00] =	vst v63  }
0x6e: {  	_ =	swait.ge [sflag:s19], $0x2800  }
0x6f: {  	[sflag:s19] =	ssyncset.done $0x0  }
0x70: {  	s29 =	simm.s32 $0x2000;
	[sflag:s19] =	ssyncadd.s32 $0xFFFFD800  }
0x71: {  	[spmem:s1] =	stream.indirect.scatter.add.f32 [tilespmem:s17], [sflag:$0x3], $0x80, s29, s16, $0xb8;
	[tilespmem:$0x1CC00] =	vst v63  }
0x72: {  	_ =	swait.ge [sflag:s14], $0x2800  }
0x73: {  	[sflag:s14] =	ssyncset.done $0x0  }
0x74: {  	s30 =	simm.s32 $0x100;
	[sflag:s14] =	ssyncadd.s32 $0xFFFFD800  }
0x75: {  	[tilespmem:s17], [sflag:$0x1] =	stream.indirect.gather [hbm4b:s4+s16], $0x80, s30, s16, $0xb8;
	[tilespmem:$0x1CC00] =	vst v63  }
0x76: {  	_ =	swait.ge [sflag:s20], $0x2800  }
0x77: {  	[sflag:s20] =	ssyncset.done $0x0  }
0x78: {  	s31 =	simm.s32 $0x2080;
	[sflag:s20] =	ssyncadd.s32 $0xFFFFD800  }
0x79: {  	[spmem:s1] =	stream.indirect.scatter.add.f32 [tilespmem:s18], [sflag:$0x3], $0x80, s31, s16, $0xb8;
	[tilespmem:$0x1CC00] =	vst v63  }
0x7a: {  	_ =	swait.ge [sflag:s14], $0x2800  }
0x7b: {  	s25 =	simm.s32 $0x100;
	s26 =	simm.s32 $0x800;
	[sflag:s14] =	ssyncset.done $0x0  }
.LBB2_4:
0x7c: {  	s28 =	sadd.s32 $0x80, s25  }
0x7d: {  	[sflag:s14] =	ssyncadd.s32 $0xFFFFD800;
	s29 =	smov.u32 s26;
	s30 =	sadd.s32 $0x400, s26  }
0x7e: {  	[tilespmem:s18], [sflag:$0x2] =	stream.indirect.gather [hbm4b:s4+s16], $0x80, s28, s16, $0xb8;
	[tilespmem:$0x1CC00] =	vst v63  }
0x7f: {  	p0 =	sne.s32 s26, $0x7800;
	_ =	swait.ge [sflag:s19], $0x2800  }
0x80: {  	[sflag:s19] =	ssyncset.done $0x0  }
0x81: {  	s26 =	sadd.s32 $0x2000, s25;
	[sflag:s19] =	ssyncadd.s32 $0xFFFFD800  }
0x82: {  	[spmem:s1] =	stream.indirect.scatter.add.f32 [tilespmem:s17], [sflag:$0x3], $0x80, s26, s16, $0xb8;
	[tilespmem:$0x1CC00] =	vst v63  }
0x83: {  	_ =	swait.ge [sflag:s14], $0x2800  }
0x84: {  	[sflag:s14] =	ssyncset.done $0x0  }
0x85: {  	s26 =	sadd.s32 $0x100, s25;
	[sflag:s14] =	ssyncadd.s32 $0xFFFFD800  }
0x86: {  	[tilespmem:s17], [sflag:$0x1] =	stream.indirect.gather [hbm4b:s4+s16], $0x80, s26, s16, $0xb8;
	[tilespmem:$0x1CC00] =	vst v63  }
0x87: {  	_ =	swait.ge [sflag:s20], $0x2800  }
.Ltmp1:
0x88: {  	[sflag:s20] =	ssyncset.done $0x0;
	(pc) =	sbr.rel @p0 .LBB2_4-.Ltmp1, $4  }
0x89: {  	s25 =	sadd.s32 $0x2080, s25;
	[sflag:s20] =	ssyncadd.s32 $0xFFFFD800  }
0x8a: {  	[spmem:s1] =	stream.indirect.scatter.add.f32 [tilespmem:s18], [sflag:$0x3], $0x80, s25, s16, $0xb8;
	[tilespmem:$0x1CC00] =	vst v63  }
0x8b: {  	_ =	swait.ge [sflag:s14], $0x2800  }
0x8c: {  	s26 =	smov.u32 s30;
	s25 =	sshra.s32 s29, $0x2;
	[sflag:s14] =	ssyncset.done $0x0  }
0x8d: {  	s26 =	sadd.s32 $0x80, s25;
	[sflag:s14] =	ssyncadd.s32 $0xFFFFD800  }
0x8e: {  	[tilespmem:s18], [sflag:$0x2] =	stream.indirect.gather [hbm4b:s4+s16], $0x80, s26, s16, $0xb8;
	[tilespmem:$0x1CC00] =	vst v63  }
0x8f: {  	_ =	swait.ge [sflag:s19], $0x2800  }
0x90: {  	[sflag:s19] =	ssyncset.done $0x0  }
0x91: {  	s29 =	sadd.s32 $0x2000, s25;
	[sflag:s19] =	ssyncadd.s32 $0xFFFFD800  }
0x92: {  	[spmem:s1] =	stream.indirect.scatter.add.f32 [tilespmem:s17], [sflag:$0x3], $0x80, s29, s16, $0xb8;
	[tilespmem:$0x1CC00] =	vst v63  }
0x93: {  	_ =	swait.ge [sflag:s14], $0x2800  }
0x94: {  	[sflag:s14] =	ssyncset.done $0x0  }
0x95: {  	s30 =	sadd.s32 $0x100, s25;
	[sflag:s14] =	ssyncadd.s32 $0xFFFFD800  }
0x96: {  	[tilespmem:s17], [sflag:$0x1] =	stream.indirect.gather [hbm4b:s4+s16], $0x80, s30, s16, $0xb8;
	[tilespmem:$0x1CC00] =	vst v63  }
0x97: {  	_ =	swait.ge [sflag:s20], $0x2800  }
0x98: {  	[sflag:s20] =	ssyncset.done $0x0  }
0x99: {  	s31 =	sadd.s32 $0x2080, s25;
	[sflag:s20] =	ssyncadd.s32 $0xFFFFD800  }
0x9a: {  	[spmem:s1] =	stream.indirect.scatter.add.f32 [tilespmem:s18], [sflag:$0x3], $0x80, s31, s16, $0xb8;
	[tilespmem:$0x1CC00] =	vst v63  }
0x9b: {  	_ =	swait.ge [sflag:s14], $0x2800  }
0x9c: {  	[sflag:s14] =	ssyncset.done $0x0  }
0x9d: {  	[sflag:s14] =	ssyncadd.s32 $0xFFFFD800  }
0x9e: {  	[tilespmem:s18], [sflag:$0x2] =	stream.indirect.gather [hbm4b:s4+s16], $0x80, s21, s16, $0xb8;
	[tilespmem:$0x1CC00] =	vst v63  }
0x9f: {  	_ =	swait.ge [sflag:s19], $0x2800  }
0xa0: {  	[sflag:s19] =	ssyncset.done $0x0  }
0xa1: {  	[sflag:s19] =	ssyncadd.s32 $0xFFFFD800  }
0xa2: {  	[spmem:s1] =	stream.indirect.scatter.add.f32 [tilespmem:s17], [sflag:$0x3], $0x80, s22, s16, $0xb8;
	[tilespmem:$0x1CC00] =	vst v63  }
0xa3: {  	_ =	swait.ge [sflag:s14], $0x2800  }
0xa4: {  	[sflag:s14] =	ssyncset.done $0x0  }
0xa5: {  	[sflag:s14] =	ssyncadd.s32 $0xFFFFD800  }
0xa6: {  	_ =	swait.ge [sflag:s20], $0x2800  }
0xa7: {  	[sflag:s20] =	ssyncset.done $0x0  }
0xa8: {  	[sflag:s20] =	ssyncadd.s32 $0xFFFFD800  }
0xa9: {  	[spmem:s1] =	stream.indirect.scatter.add.f32 [tilespmem:s18], [sflag:$0x3], $0x80, s23, s16, $0xb8;
	[tilespmem:$0x1CC00] =	vst v63  }
0xaa: {  	_ =	swait.ge [sflag:s14], $0x2800  }
0xab: {  	s24 =	sadd.s32 $0x1, s24;
	[sflag:s14] =	ssyncset.done $0x0  }
0xac: {  	p0 =	sne.s32 s24, s11;
	[sflag:s14] =	ssyncadd.s32 $0xFFFFD800  }
.Ltmp2:
0xad: {  	[bflag:$0x0] =	sbarrier.arrive $0xFFFF;
	(pc) =	sbr.rel @p0 .LBB2_1-.Ltmp2, $4  }
0xae: {  	[hbm:s12], [sflag:s6] =	dma.local [spmem:s13], $0x2780  }
0xaf: {  	_ =	swait.ge [sflag:s14], $0x2780  }
0xb0: {  	[sflag:s14] =	ssyncset.done $0x0  }
0xb1: {  	[sflag:s14] =	ssyncadd.s32 $0xFFFFD880  }
0xb2: {  	_ =	sfence.sel $0x180000  }
0xb3: {  	[bflag:$0x0] =	sbarrier.arrive $0xFFFF  }
0xb4: {  	p0 =	sne.s32 s2, $0x0;
	_ =	strace $0x9000004A  }
0xb5: {  	s0 =	sadd.s32 @!p0 $0x100000, s0;
	[bflag:$0x2] =	sbarrier.arrive $0xFFFF  }
0xb6: {  	[sflag:s0] =	ssyncadd.tile.s32 @!p0 $0x1;
	_ =	shalt  }
.Lfunc_end2:
_tile_overlayer_lowered:
.L_overlay_start_2:
0xb7: {  	(tag) =	ssettag $0x2  }
0xb8: {  	s0 =	rddreg [dreg:$0x0];
	s2 =	stileid.u32  }
0xb9: {  	s1 =	rddreg [dreg:$0x1];
	p0 =	sne.s32 s2, $0x0  }
0xba: {  	s3 =	rddreg [dreg:$0x2];
	[bflag:$0x3] =	sbarrier.arrive $0xFFFF;
	s2 =	simm.s32 @!p0 $0x1C03  }
0xbb: {  	[timem:s3], [sflag:s2] =	dma.local @!p0 [hbm:s0], s1  }
0xbc: {  	s0 =	simm.s32 @!p0 $0x3  }
0xbd: {  	_ =	swait.ge @!p0 [sflag:s0], s1  }
0xbe: {  	s1 =	ssub.s32 @!p0 $0x0, s1;
	[sflag:s0] =	ssyncset.done @!p0 $0x0  }
0xbf: {  	[sflag:s0] =	ssyncadd.s32 @!p0 s1  }
0xc0: {  	[bflag:$0x3] =	sbarrier.arrive $0xFFFF  }
0xc1: {  	_ =	shalt  }

// kernel: kernel.7.cloned.1.call-start
scs
__scs_entry_jumppad:
0x0: {  	(pc) =	sbr.rel $0x88, $3  }
0x1: {  	(tag) =	ssettag $0x0;
	lr =	simm.s32 $0x1  }
0x2: {  	[smem:$0x3F93] =	sst lr;
	_ =	strace $0xD0000000  }
0x3: {  	_ = 	snop  }
0x4: {  	_ = 	snop  }
0x5: {  	_ = 	snop  }
0x6: {  	_ = 	snop  }
0x7: {  	_ = 	snop  }
__scs_overlays_trampoline_lowered:
0x8: {  	[smem:$0x3FA2] =	sst s0  }
0x9: {  	[smem:$0x3FA3] =	sst s1  }
0xa: {  	[smem:$0x3FA4] =	sst s2  }
0xb: {  	[smem:$0x3FA5] =	sst s3  }
0xc: {  	[smem:$0x3FA6] =	sst s4  }
0xd: {  	[smem:$0x3FA7] =	sst s5  }
0xe: {  	[smem:$0x3FA8] =	sst s6  }
0xf: {  	[smem:$0x3FA9] =	sst s7  }
0x10: {  	[smem:$0x3FAA] =	sst s8  }
0x11: {  	[smem:$0x3FAB] =	sst s9;
	s0 =	simm.s32 @!p0 $0x0  }
0x12: {  	s1 =	sld [smem:$0x3F91];
	s0 =	simm.s32 @p0 $0x1  }
0x13: {  	[smem:$0x3FAC] =	sst s0;
	s0 =	simm.s32 @!p1 $0x0  }
0x14: {  	s2 =	sld [smem:$0x3F90];
	s0 =	simm.s32 @p1 $0x1  }
0x15: {  	[smem:$0x3FAD] =	sst s0;
	s0 =	simm.s32 @!p2 $0x0  }
0x16: {  	s3 =	sld [smem:$0x3FDB];
	s0 =	simm.s32 @p2 $0x1  }
0x17: {  	s4 =	simm.s32 $0x1BF5;
	[smem:$0x3FAF] =	sst s0  }
0x18: {  	s0 =	sld [smem:$0x3F92];
	_ =	swait.ge [sflag:s4], $0x0  }
0x19: {  	s7 =	sld [smem:$0x3F93]  }
0x1a: {  	s8 =	sadd.s32 $0xFFFFE003, lr  }
0x1b: {  	s9 =	sadd.s32 $0xFFFFFEF7, lr;
	s5 =	simm.s32 $0xFFFFFFFF;
	p2 =	slt.u32 s8, $0xFFFFF086  }
0x1c: {  	p1 =	slt.u32 s9, $0xF7A;
	s5 =	simm.s32 @!p2 $0x0  }
0x1d: {  	s5 =	simm.s32 @p1 $0x1;
	p0 =	seq.s32 s7, s2  }
0x1e: {  	s7 =	smul.u32 @!p0 $0xF7A, s2;
	p2 =	seq.s32 @!p0 s5, $0x0  }
0x1f: {  	s9 =	smul.u32 $0xF7A, s1;
	s8 =	simm.s32 @!p0 $0x1BF5;
	p2 =	por !p2, p0  }
0x20: {  	[sflag:s8] =	ssyncset.s32 @!p0 $0xFFFFF086;
	s6 =	sadd.s32 @!p0 s3, s7;
	s7 =	simm.s32 @!p0 $0x108  }
0x21: {  	s3 =	sadd.s32 s3, s9;
	s6 =	sadd.s32 @!p0 $0x88, s6;
	s7 =	simm.s32 @p2 $0x1082  }
0x22: {  	[simem:s7], [sflag:s8] =	dma.local @!p0 [hbm:s6], $0xF7A  }
0x23: {  	s9 =	sor.u32 $0xD0000000, s2;
	s6 =	simm.s32 $0x108;
	_ =	swait.ge @!p0 [sflag:s8], $0x0  }
0x24: {  	s3 =	sadd.s32 $0x88, s3;
	s6 =	simm.s32 @!p1 $0x1082;
	[sflag:s4] =	ssyncset.s32 $0xFFFFF086  }
0x25: {  	[simem:s6], [sflag:s4] =	dma.local [hbm:s3], $0xF7A  }
0x26: {  	[smem:$0x3F93] =	sst s1;
	(tag) =	ssettag s2;
	_ =	strace s9  }
0x27: {  	s1 =	sld [smem:$0x3FA3]  }
0x28: {  	s2 =	sld [smem:$0x3FA4]  }
0x29: {  	s4 =	sld [smem:$0x3FA6]  }
0x2a: {  	p0 =	seq.s32 s5, $0x0;
	s5 =	sld [smem:$0x3FA7]  }
0x2b: {  	s6 =	sld [smem:$0x3FA8]  }
0x2c: {  	s7 =	sld [smem:$0x3FA9]  }
0x2d: {  	s3 =	simm.s32 $0x108;
	s8 =	sld [smem:$0x3FAA]  }
0x2e: {  	s3 =	simm.s32 @!p0 $0x1082;
	s9 =	sld [smem:$0x3FAB]  }
0x2f: {  	lr =	sadd.s32 s0, s3;
	s0 =	sld [smem:$0x3FA2]  }
0x30: {  	s3 =	sld [smem:$0x3FA5]  }
0x31: {  	[smem:$0x3FAE] =	sst s10  }
0x32: {  	s10 =	sld [smem:$0x3FAC];
	_ =	sdelay $0x3  }
0x33: {  	p0 =	seq.s32 s10, $0x1;
	s10 =	sld [smem:$0x3FAE];
	_ =	sdelay $0x3  }
0x34: {  	[smem:$0x3FAE] =	sst s10  }
0x35: {  	s10 =	sld [smem:$0x3FAD];
	_ =	sdelay $0x3  }
0x36: {  	p1 =	seq.s32 s10, $0x1;
	s10 =	sld [smem:$0x3FAE];
	_ =	sdelay $0x3  }
0x37: {  	[smem:$0x3FAE] =	sst s10  }
0x38: {  	s10 =	sld [smem:$0x3FAF]  }
0x39: {  	_ = 	snop;
	(pc) =	sbr.ind lr, $3  }
0x3a: {  	_ = 	snop  }
0x3b: {  	_ = 	snop  }
0x3c: {  	p2 =	seq.s32 s10, $0x1;
	s10 =	sld [smem:$0x3FAE]  }
0x3d: {  	_ =	shalt  }
0x3e: {  	_ =	shalt  }
0x3f: {  	_ =	shalt  }
0x40: {  	_ =	shalt  }
0x41: {  	_ =	shalt  }
0x42: {  	_ =	shalt  }
0x43: {  	_ =	shalt  }
0x44: {  	_ =	shalt  }
0x45: {  	_ =	shalt  }
0x46: {  	_ =	shalt  }
0x47: {  	_ =	shalt  }
0x48: {  	_ =	shalt  }
0x49: {  	_ =	shalt  }
0x4a: {  	_ =	shalt  }
0x4b: {  	_ =	shalt  }
0x4c: {  	_ =	shalt  }
0x4d: {  	_ =	shalt  }
0x4e: {  	_ =	shalt  }
0x4f: {  	_ =	shalt  }
0x50: {  	_ =	shalt  }
0x51: {  	_ =	shalt  }
0x52: {  	_ =	shalt  }
0x53: {  	_ =	shalt  }
0x54: {  	_ =	shalt  }
0x55: {  	_ =	shalt  }
0x56: {  	_ =	shalt  }
0x57: {  	_ =	shalt  }
0x58: {  	_ =	shalt  }
0x59: {  	_ =	shalt  }
0x5a: {  	_ =	shalt  }
0x5b: {  	_ =	shalt  }
0x5c: {  	_ =	shalt  }
0x5d: {  	_ =	shalt  }
0x5e: {  	_ =	shalt  }
0x5f: {  	_ =	shalt  }
0x60: {  	_ =	shalt  }
0x61: {  	_ =	shalt  }
0x62: {  	_ =	shalt  }
0x63: {  	_ =	shalt  }
0x64: {  	_ =	shalt  }
0x65: {  	_ =	shalt  }
0x66: {  	_ =	shalt  }
0x67: {  	_ =	shalt  }
0x68: {  	_ =	shalt  }
0x69: {  	_ =	shalt  }
0x6a: {  	_ =	shalt  }
0x6b: {  	_ =	shalt  }
0x6c: {  	_ =	shalt  }
0x6d: {  	_ =	shalt  }
0x6e: {  	_ =	shalt  }
0x6f: {  	_ =	shalt  }
0x70: {  	_ =	shalt  }
0x71: {  	_ =	shalt  }
0x72: {  	_ =	shalt  }
0x73: {  	_ =	shalt  }
0x74: {  	_ =	shalt  }
0x75: {  	_ =	shalt  }
0x76: {  	_ =	shalt  }
0x77: {  	_ =	shalt  }
0x78: {  	_ =	shalt  }
0x79: {  	_ =	shalt  }
0x7a: {  	_ =	shalt  }
0x7b: {  	_ =	shalt  }
0x7c: {  	_ =	shalt  }
0x7d: {  	_ =	shalt  }
0x7e: {  	_ =	shalt  }
0x7f: {  	_ =	shalt  }
0x80: {  	_ =	shalt  }
0x81: {  	_ =	shalt  }
0x82: {  	_ =	shalt  }
0x83: {  	_ =	shalt  }
0x84: {  	_ =	shalt  }
0x85: {  	_ =	shalt  }
0x86: {  	_ =	shalt  }
0x87: {  	_ =	shalt  }
.Lfunc_end0:
.L_simem_size_0:
called_computation_lowered:
.L_overlay_start_0:
0x88: {  	s2 =	sld [smem:$0x3FD9]  }
0x89: {  	s3 =	sld [smem:$0x3FFE];
	_ =	sdelay $0x1  }
0x8a: {  	s1 =	srdreg.scid  }
0x8b: {  	s0 =	sand.u32 $0x1, s1  }
0x8c: {  	s17 =	sshll.u32 s0, $0xA;
	s2 =	sadd.s32 s3, s2  }
0x8d: {  	s2 =	sadd.s32 s2, s17  }
0x8e: {  	[smem:$0x3FBA] =	sst s2  }
0x8f: {  	_ = 	snop  }
0x90: {  	s2 =	sld [smem:$0x3FD0];
	(tm) =	ssettm $0x1  }
0x91: {  	s18 =	sld [smem:$0x3FFB];
	_ =	sdelay $0x3  }
0x92: {  	_ =	strace s18  }
0x93: {  	s3 =	sld [smem:$0x3FFC];
	_ =	sdelay $0x3  }
0x94: {  	_ =	strace s3  }
0x95: {  	s3 =	sld [smem:$0x3FFD];
	_ =	sdelay $0x3  }
0x96: {  	_ =	strace s3  }
0x97: {  	_ =	strace $0x8FFFFFFF  }
0x98: {  	s19 =	sld [smem:$0x3FDB];
	_ =	sdelay $0x1  }
0x99: {  	s4 =	simm.s32 $_scs_section_size  }
0x9a: {  	s5 =	simm.s32 $_size__tile_overlayer_lowered;
	s6 =	simm.s32 $_tile_overlayer_lowered  }
0x9b: {  	s22 =	simm.s32 $0x1BFF;
	s21 =	sshll.u32 s6, $0x1;
	s3 =	sadd.s32 s4, s19  }
0x9c: {  	s7 =	simm.s32 $0x0;
	s20 =	sshll.u32 s5, $0x1;
	s5 =	sadd.s32 s21, s3  }
0x9d: {  	[timem:s7], [sflag:s22] =	dma.local [hbm:s5], s20  }
0x9e: {  	_ =	swait.ge [sflag:s22], s20  }
0x9f: {  	s4 =	ssub.s32 $0x0, s20;
	[sflag:s22] =	ssyncset.done $0x0  }
0xa0: {  	[sflag:s22] =	ssyncadd.s32 s4;
	_ =	sdelay $0x1  }
0xa1: {  	s23 =	simm.s32 $0x1B8B  }
0xa2: {  	_ =	swait.ge [sflag:s23], $0x1  }
0xa3: {  	[sflag:s23] =	ssyncset.done $0x0  }
0xa4: {  	s25 =	simm.s32 $0x1B8E;
	s24 =	sld [smem:$0x3FFE];
	[sflag:s23] =	ssyncadd.s32 $0xFFFFFFFF  }
0xa5: {  	s26 =	simm.s32 $execute0_lowered;
	[smem:$0x3FD2] =	sst s25  }
0xa6: {  	s5 =	sshll.u32 s26, $0x1;
	_ =	strace $0x80000046;
	[dreg:$0x1] =	wrdreg $0xFFFFFFFF  }
0xa7: {  	s28 =	simm.s32 $_size_execute0_lowered;
	s3 =	sadd.s32 s3, s5;
	[dreg:$0x0] =	wrdreg $0x0  }
0xa8: {  	s5 =	sshll.u32 s28, $0x1;
	[dreg:$0x2] =	wrdreg s3  }
0xa9: {  	[dreg:$0x3] =	wrdreg s5  }
0xaa: {  	[dreg:$0x4] =	wrdreg $0xC0  }
0xab: {  	_ =	task [dreg:s7], $0x5FFFF  }
0xac: {  	[dreg:$0x1] =	wrdreg $0xFFFFFFFF  }
0xad: {  	[dreg:$0x0] =	wrdreg $0x60  }
0xae: {  	[dreg:$0x2] =	wrdreg s24  }
0xaf: {  	[dreg:$0x3] =	wrdreg s2  }
0xb0: {  	[dreg:$0x4] =	wrdreg $0x90000  }
0xb1: {  	[dreg:$0x5] =	wrdreg $0x9  }
0xb2: {  	_ =	task.clear_ibuf [dreg:s7], $0x6FFFF;
	_ =	strace $0x90000046  }
0xb3: {  	s29 =	simm.s32 $0x9;
	_ =	strace $0x80000048  }
0xb4: {  	_ =	swait.ge [sflag:s29], $0x1  }
0xb5: {  	[sflag:s29] =	ssyncadd.s32 $0xFFFFFFFF  }
0xb6: {  	_ =	strace $0x90000048  }
0xb7: {  	_ =	sfence  }
0xb8: {  	s30 =	sld [smem:$0x0];
	_ =	sdelay $0x2  }
0xb9: {  	s31 =	sshll.u32 s1, $0xD;
	s1 =	sshrl.u32 s1, $0x2  }
0xba: {  	s3 =	sand.u32 $0x4000, s31;
	s1 =	sadd.s32 s1, s30  }
0xbb: {  	s0 =	sor.u32 s3, s0;
	s1 =	sshll.u32 s1, $0x11  }
0xbc: {  	s0 =	sor.u32 s1, s0  }
0xbd: {  	s0 =	sadd.s32 $0x8F2B, s0  }
0xbe: {  	[sflag:s0] =	ssyncadd.remote.s32 $0x1  }
0xbf: {  	_ =	sfence.sel $0xFFFF  }
0xc0: {  	[dreg:$0x0] =	wrdreg $0xFFFFFFFF;
	(pc) =	sbr.abs _section_cstart, $3  }
0xc1: {  	[dreg:$0x1] =	wrdreg $0xFFFFFFFF  }
0xc2: {  	_ =	task.clear_ibuf [dreg:s7], $0x2FFFF;
	_ =	strace $0x9FFFFFFF  }
0xc3: {  	(tm) =	ssettm $0x7FFFFFFF  }
tec
execute0_lowered:
.L_overlay_start_1:
0x0: {  	(tag) =	ssettag $0x1  }
0x1: {  	s10 =	rddreg [dreg:$0x0]  }
0x2: {  	s5 =	rddreg [dreg:$0x1]  }
0x3: {  	s1 =	rddreg [dreg:$0x2]  }
0x4: {  	s0 =	rddreg [dreg:$0x3]  }
0x5: {  	s3 =	simm.s32 $0x0;
	s4 =	srdreg.scid;
	s2 =	stileid.u32  }
0x6: {  	s17 =	simm.s32 $0x4000;
	s18 =	simm.s32 $0x6800;
	s19 =	simm.s32 $0x1  }
0x7: {  	s20 =	simm.s32 $0x2;
	s21 =	simm.s32 $0x1F80;
	s22 =	simm.s32 $0x3F00  }
0x8: {  	s23 =	simm.s32 $0x3F80;
	s24 =	simm.s32 $0x0;
	[smem:$0x7FF] =	sst s3  }
0x9: {  	s7 =	sand.u32 $0x1, s4;
	s4 =	sadd.s32 $0x23600, s10;
	s8 =	smul.u32 $0x4F000, s2  }
0xa: {  	s9 =	sadd.s32 $0x13600, s10;
	s12 =	smul.u32 $0x2780, s2;
	s13 =	sadd.s32 $0x3600, s10  }
0xb: {  	s30 =	sshll.u32 s2, $0x6;
	s15 =	sshll.u32 s2, $0xB;
	_ =	strace $0x80000047  }
0xc: {  	s6 =	ssub.s32 $0x2, s7;
	s31 =	sshll.u32 s7, $0xF;
	p0 =	seq.s32 s7, $0x1  }
0xd: {  	s11 =	sshrl.u32 s6, $0x1;
	s29 =	sshrl.u32 s8, $0x2;
	s5 =	sadd.s32 s5, s12  }
0xe: {  	s8 =	sor.u32 s15, s31;
	s15 =	simm.s32 $0x99200;
	s11 =	ssub.s32 s6, s11  }
0xf: {  	s14 =	sadd.s32 s29, s1;
	s6 =	sor.u32 $0x1C03, s30;
	s7 =	sadd.s32 s9, s8  }
0x10: {  	s16 =	sor.u32 $0x400, s8;
	s15 =	simm.s32 @!p0 $0x71A00;
	s8 =	sadd.s32 s13, s8  }
0x11: {  	s9 =	sadd.s32 s9, s16;
	s15 =	sadd.s32 s15, s10;
	s10 =	sadd.s32 s13, s16  }
0x12: {  	s11 =	smax.u32 s11, $0x1;
	s13 =	sshrl.u32 s14, $0x3;
	s14 =	simm.s32 $0x3  }
0x13: {  	s16 =	simm.s32 $0x50;
	s12 =	sadd.s32 s15, s12;
	s15 =	simm.s32 $0x2000  }
.LBB2_1:
0x14: {  	[spmem:s13], [sflag:s6] =	dma.local [hbm:s5], $0x2780  }
0x15: {  	_ =	swait.ge [sflag:s14], $0x2780  }
0x16: {  	[sflag:s14] =	ssyncset.done $0x0  }
0x17: {  	[sflag:s14] =	ssyncadd.s32 $0xFFFFD880  }
0x18: {  	[bflag:$0x0] =	sbarrier.arrive $0xFFFF  }
0x19: {  	[tilespmem:s3], [sflag:$0x3] =	stream.linear.gather [hbm4b:s7+s3], $0x2000, $0x38;
	[tilespmem:$0x1CC00] =	vst v63  }
0x1a: {  	_ =	swait.ge [sflag:s14], $0x2000  }
0x1b: {  	[sflag:s14] =	ssyncset.done $0x0  }
0x1c: {  	[sflag:s14] =	ssyncadd.s32 $0xFFFFE000  }
0x1d: {  	[tilespmem:s15], [sflag:$0x3] =	stream.linear.gather [hbm4b:s8+s3], $0x2000, $0x38;
	[tilespmem:$0x1CC00] =	vst v63  }
0x1e: {  	_ =	swait.ge [sflag:s14], $0x2000  }
0x1f: {  	[sflag:s14] =	ssyncset.done $0x0  }
0x20: {  	[sflag:s14] =	ssyncadd.s32 $0xFFFFE000  }
0x21: {  	[tilespmem:s17], [sflag:$0x1] =	stream.indirect.gather [hbm4b:s4+s16], $0x80, s3, s16, $0xb8;
	[tilespmem:$0x1CC00] =	vst v63  }
0x22: {  	s25 =	simm.s32 $0x80  }
0x23: {  	[tilespmem:s18], [sflag:$0x2] =	stream.indirect.gather [hbm4b:s4+s16], $0x80, s25, s16, $0xb8;
	[tilespmem:$0x1CC00] =	vst v63  }
0x24: {  	_ =	swait.ge [sflag:s19], $0x2800  }
0x25: {  	[sflag:s19] =	ssyncset.done $0x0  }
0x26: {  	s29 =	simm.s32 $0x2000;
	[sflag:s19] =	ssyncadd.s32 $0xFFFFD800  }
0x27: {  	[spmem:s1] =	stream.indirect.scatter.add.f32 [tilespmem:s17], [sflag:$0x3], $0x80, s29, s16, $0xb8;
	[tilespmem:$0x1CC00] =	vst v63  }
0x28: {  	_ =	swait.ge [sflag:s14], $0x2800  }
0x29: {  	[sflag:s14] =	ssyncset.done $0x0  }
0x2a: {  	s30 =	simm.s32 $0x100;
	[sflag:s14] =	ssyncadd.s32 $0xFFFFD800  }
0x2b: {  	[tilespmem:s17], [sflag:$0x1] =	stream.indirect.gather [hbm4b:s4+s16], $0x80, s30, s16, $0xb8;
	[tilespmem:$0x1CC00] =	vst v63  }
0x2c: {  	_ =	swait.ge [sflag:s20], $0x2800  }
0x2d: {  	[sflag:s20] =	ssyncset.done $0x0  }
0x2e: {  	s31 =	simm.s32 $0x2080;
	[sflag:s20] =	ssyncadd.s32 $0xFFFFD800  }
0x2f: {  	[spmem:s1] =	stream.indirect.scatter.add.f32 [tilespmem:s18], [sflag:$0x3], $0x80, s31, s16, $0xb8;
	[tilespmem:$0x1CC00] =	vst v63  }
0x30: {  	_ =	swait.ge [sflag:s14], $0x2800  }
0x31: {  	s26 =	simm.s32 $0x800;
	s25 =	simm.s32 $0x100;
	[sflag:s14] =	ssyncset.done $0x0  }
.LBB2_2:
0x32: {  	s28 =	sadd.s32 $0x80, s25  }
0x33: {  	[sflag:s14] =	ssyncadd.s32 $0xFFFFD800;
	s29 =	smov.u32 s26;
	s30 =	sadd.s32 $0x400, s26  }
0x34: {  	[tilespmem:s18], [sflag:$0x2] =	stream.indirect.gather [hbm4b:s4+s16], $0x80, s28, s16, $0xb8;
	[tilespmem:$0x1CC00] =	vst v63  }
0x35: {  	p0 =	sne.s32 s26, $0x7800;
	_ =	swait.ge [sflag:s19], $0x2800  }
0x36: {  	[sflag:s19] =	ssyncset.done $0x0  }
0x37: {  	s26 =	sadd.s32 $0x2000, s25;
	[sflag:s19] =	ssyncadd.s32 $0xFFFFD800  }
0x38: {  	[spmem:s1] =	stream.indirect.scatter.add.f32 [tilespmem:s17], [sflag:$0x3], $0x80, s26, s16, $0xb8;
	[tilespmem:$0x1CC00] =	vst v63  }
0x39: {  	_ =	swait.ge [sflag:s14], $0x2800  }
0x3a: {  	[sflag:s14] =	ssyncset.done $0x0  }
0x3b: {  	s26 =	sadd.s32 $0x100, s25;
	[sflag:s14] =	ssyncadd.s32 $0xFFFFD800  }
0x3c: {  	[tilespmem:s17], [sflag:$0x1] =	stream.indirect.gather [hbm4b:s4+s16], $0x80, s26, s16, $0xb8;
	[tilespmem:$0x1CC00] =	vst v63  }
0x3d: {  	_ =	swait.ge [sflag:s20], $0x2800  }
.Ltmp0:
0x3e: {  	[sflag:s20] =	ssyncset.done $0x0;
	(pc) =	sbr.rel @p0 .LBB2_2-.Ltmp0, $4  }
0x3f: {  	s25 =	sadd.s32 $0x2080, s25;
	[sflag:s20] =	ssyncadd.s32 $0xFFFFD800  }
0x40: {  	[spmem:s1] =	stream.indirect.scatter.add.f32 [tilespmem:s18], [sflag:$0x3], $0x80, s25, s16, $0xb8;
	[tilespmem:$0x1CC00] =	vst v63  }
0x41: {  	_ =	swait.ge [sflag:s14], $0x2800  }
0x42: {  	s26 =	smov.u32 s30;
	s25 =	sshra.s32 s29, $0x2;
	[sflag:s14] =	ssyncset.done $0x0  }
0x43: {  	s26 =	sadd.s32 $0x80, s25;
	[sflag:s14] =	ssyncadd.s32 $0xFFFFD800  }
0x44: {  	[tilespmem:s18], [sflag:$0x2] =	stream.indirect.gather [hbm4b:s4+s16], $0x80, s26, s16, $0xb8;
	[tilespmem:$0x1CC00] =	vst v63  }
0x45: {  	_ =	swait.ge [sflag:s19], $0x2800  }
0x46: {  	[sflag:s19] =	ssyncset.done $0x0  }
0x47: {  	s29 =	sadd.s32 $0x2000, s25;
	[sflag:s19] =	ssyncadd.s32 $0xFFFFD800  }
0x48: {  	[spmem:s1] =	stream.indirect.scatter.add.f32 [tilespmem:s17], [sflag:$0x3], $0x80, s29, s16, $0xb8;
	[tilespmem:$0x1CC00] =	vst v63  }
0x49: {  	_ =	swait.ge [sflag:s14], $0x2800  }
0x4a: {  	[sflag:s14] =	ssyncset.done $0x0  }
0x4b: {  	s30 =	sadd.s32 $0x100, s25;
	[sflag:s14] =	ssyncadd.s32 $0xFFFFD800  }
0x4c: {  	[tilespmem:s17], [sflag:$0x1] =	stream.indirect.gather [hbm4b:s4+s16], $0x80, s30, s16, $0xb8;
	[tilespmem:$0x1CC00] =	vst v63  }
0x4d: {  	_ =	swait.ge [sflag:s20], $0x2800  }
0x4e: {  	[sflag:s20] =	ssyncset.done $0x0  }
0x4f: {  	s31 =	sadd.s32 $0x2080, s25;
	[sflag:s20] =	ssyncadd.s32 $0xFFFFD800  }
0x50: {  	[spmem:s1] =	stream.indirect.scatter.add.f32 [tilespmem:s18], [sflag:$0x3], $0x80, s31, s16, $0xb8;
	[tilespmem:$0x1CC00] =	vst v63  }
0x51: {  	_ =	swait.ge [sflag:s14], $0x2800  }
0x52: {  	[sflag:s14] =	ssyncset.done $0x0  }
0x53: {  	[sflag:s14] =	ssyncadd.s32 $0xFFFFD800  }
0x54: {  	[tilespmem:s18], [sflag:$0x2] =	stream.indirect.gather [hbm4b:s4+s16], $0x80, s21, s16, $0xb8;
	[tilespmem:$0x1CC00] =	vst v63  }
0x55: {  	_ =	swait.ge [sflag:s19], $0x2800  }
0x56: {  	[sflag:s19] =	ssyncset.done $0x0  }
0x57: {  	[sflag:s19] =	ssyncadd.s32 $0xFFFFD800  }
0x58: {  	[spmem:s1] =	stream.indirect.scatter.add.f32 [tilespmem:s17], [sflag:$0x3], $0x80, s22, s16, $0xb8;
	[tilespmem:$0x1CC00] =	vst v63  }
0x59: {  	_ =	swait.ge [sflag:s14], $0x2800  }
0x5a: {  	[sflag:s14] =	ssyncset.done $0x0  }
0x5b: {  	[sflag:s14] =	ssyncadd.s32 $0xFFFFD800  }
0x5c: {  	_ =	swait.ge [sflag:s20], $0x2800  }
0x5d: {  	[sflag:s20] =	ssyncset.done $0x0  }
0x5e: {  	[sflag:s20] =	ssyncadd.s32 $0xFFFFD800  }
0x5f: {  	[spmem:s1] =	stream.indirect.scatter.add.f32 [tilespmem:s18], [sflag:$0x3], $0x80, s23, s16, $0xb8;
	[tilespmem:$0x1CC00] =	vst v63  }
0x60: {  	_ =	swait.ge [sflag:s14], $0x2800  }
0x61: {  	[sflag:s14] =	ssyncset.done $0x0  }
0x62: {  	s26 =	simm.s32 $0x0;
	[sflag:s14] =	ssyncadd.s32 $0xFFFFD800  }
0x63: {  	[tilespmem:s26], [sflag:$0x3] =	stream.linear.gather [hbm4b:s9+s26], $0x2000, $0x38;
	[tilespmem:$0x1CC00] =	vst v63  }
0x64: {  	_ =	swait.ge [sflag:s14], $0x2000  }
0x65: {  	[sflag:s14] =	ssyncset.done $0x0  }
0x66: {  	[sflag:s14] =	ssyncadd.s32 $0xFFFFE000  }
0x67: {  	[tilespmem:s15], [sflag:$0x3] =	stream.linear.gather [hbm4b:s10+s26], $0x2000, $0x38;
	[tilespmem:$0x1CC00] =	vst v63  }
0x68: {  	_ =	swait.ge [sflag:s14], $0x2000  }
0x69: {  	[sflag:s14] =	ssyncset.done $0x0  }
0x6a: {  	[sflag:s14] =	ssyncadd.s32 $0xFFFFE000  }
0x6b: {  	[tilespmem:s17], [sflag:$0x1] =	stream.indirect.gather [hbm4b:s4+s16], $0x80, s26, s16, $0xb8;
	[tilespmem:$0x1CC00] =	vst v63  }
0x6c: {  	s28 =	simm.s32 $0x80  }
0x6d: {  	[tilespmem:s18], [sflag:$0x2] =	stream.indirect.gather [hbm4b:s4+s16], $0x80, s28, s16, $0xb8;
	[tilespmem:$0x1CC00] =	vst v63  }
0x6e: {  	_ =	swait.ge [sflag:s19], $0x2800  }
0x6f: {  	[sflag:s19] =	ssyncset.done $0x0  }
0x70: {  	s29 =	simm.s32 $0x2000;
	[sflag:s19] =	ssyncadd.s32 $0xFFFFD800  }
0x71: {  	[spmem:s1] =	stream.indirect.scatter.add.f32 [tilespmem:s17], [sflag:$0x3], $0x80, s29, s16, $0xb8;
	[tilespmem:$0x1CC00] =	vst v63  }
0x72: {  	_ =	swait.ge [sflag:s14], $0x2800  }
0x73: {  	[sflag:s14] =	ssyncset.done $0x0  }
0x74: {  	s30 =	simm.s32 $0x100;
	[sflag:s14] =	ssyncadd.s32 $0xFFFFD800  }
0x75: {  	[tilespmem:s17], [sflag:$0x1] =	stream.indirect.gather [hbm4b:s4+s16], $0x80, s30, s16, $0xb8;
	[tilespmem:$0x1CC00] =	vst v63  }
0x76: {  	_ =	swait.ge [sflag:s20], $0x2800  }
0x77: {  	[sflag:s20] =	ssyncset.done $0x0  }
0x78: {  	s31 =	simm.s32 $0x2080;
	[sflag:s20] =	ssyncadd.s32 $0xFFFFD800  }
0x79: {  	[spmem:s1] =	stream.indirect.scatter.add.f32 [tilespmem:s18], [sflag:$0x3], $0x80, s31, s16, $0xb8;
	[tilespmem:$0x1CC00] =	vst v63  }
0x7a: {  	_ =	swait.ge [sflag:s14], $0x2800  }
0x7b: {  	s25 =	simm.s32 $0x100;
	s26 =	simm.s32 $0x800;
	[sflag:s14] =	ssyncset.done $0x0  }
.LBB2_4:
0x7c: {  	s28 =	sadd.s32 $0x80, s25  }
0x7d: {  	[sflag:s14] =	ssyncadd.s32 $0xFFFFD800;
	s29 =	smov.u32 s26;
	s30 =	sadd.s32 $0x400, s26  }
0x7e: {  	[tilespmem:s18], [sflag:$0x2] =	stream.indirect.gather [hbm4b:s4+s16], $0x80, s28, s16, $0xb8;
	[tilespmem:$0x1CC00] =	vst v63  }
0x7f: {  	p0 =	sne.s32 s26, $0x7800;
	_ =	swait.ge [sflag:s19], $0x2800  }
0x80: {  	[sflag:s19] =	ssyncset.done $0x0  }
0x81: {  	s26 =	sadd.s32 $0x2000, s25;
	[sflag:s19] =	ssyncadd.s32 $0xFFFFD800  }
0x82: {  	[spmem:s1] =	stream.indirect.scatter.add.f32 [tilespmem:s17], [sflag:$0x3], $0x80, s26, s16, $0xb8;
	[tilespmem:$0x1CC00] =	vst v63  }
0x83: {  	_ =	swait.ge [sflag:s14], $0x2800  }
0x84: {  	[sflag:s14] =	ssyncset.done $0x0  }
0x85: {  	s26 =	sadd.s32 $0x100, s25;
	[sflag:s14] =	ssyncadd.s32 $0xFFFFD800  }
0x86: {  	[tilespmem:s17], [sflag:$0x1] =	stream.indirect.gather [hbm4b:s4+s16], $0x80, s26, s16, $0xb8;
	[tilespmem:$0x1CC00] =	vst v63  }
0x87: {  	_ =	swait.ge [sflag:s20], $0x2800  }
.Ltmp1:
0x88: {  	[sflag:s20] =	ssyncset.done $0x0;
	(pc) =	sbr.rel @p0 .LBB2_4-.Ltmp1, $4  }
0x89: {  	s25 =	sadd.s32 $0x2080, s25;
	[sflag:s20] =	ssyncadd.s32 $0xFFFFD800  }
0x8a: {  	[spmem:s1] =	stream.indirect.scatter.add.f32 [tilespmem:s18], [sflag:$0x3], $0x80, s25, s16, $0xb8;
	[tilespmem:$0x1CC00] =	vst v63  }
0x8b: {  	_ =	swait.ge [sflag:s14], $0x2800  }
0x8c: {  	s26 =	smov.u32 s30;
	s25 =	sshra.s32 s29, $0x2;
	[sflag:s14] =	ssyncset.done $0x0  }
0x8d: {  	s26 =	sadd.s32 $0x80, s25;
	[sflag:s14] =	ssyncadd.s32 $0xFFFFD800  }
0x8e: {  	[tilespmem:s18], [sflag:$0x2] =	stream.indirect.gather [hbm4b:s4+s16], $0x80, s26, s16, $0xb8;
	[tilespmem:$0x1CC00] =	vst v63  }
0x8f: {  	_ =	swait.ge [sflag:s19], $0x2800  }
0x90: {  	[sflag:s19] =	ssyncset.done $0x0  }
0x91: {  	s29 =	sadd.s32 $0x2000, s25;
	[sflag:s19] =	ssyncadd.s32 $0xFFFFD800  }
0x92: {  	[spmem:s1] =	stream.indirect.scatter.add.f32 [tilespmem:s17], [sflag:$0x3], $0x80, s29, s16, $0xb8;
	[tilespmem:$0x1CC00] =	vst v63  }
0x93: {  	_ =	swait.ge [sflag:s14], $0x2800  }
0x94: {  	[sflag:s14] =	ssyncset.done $0x0  }
0x95: {  	s30 =	sadd.s32 $0x100, s25;
	[sflag:s14] =	ssyncadd.s32 $0xFFFFD800  }
0x96: {  	[tilespmem:s17], [sflag:$0x1] =	stream.indirect.gather [hbm4b:s4+s16], $0x80, s30, s16, $0xb8;
	[tilespmem:$0x1CC00] =	vst v63  }
0x97: {  	_ =	swait.ge [sflag:s20], $0x2800  }
0x98: {  	[sflag:s20] =	ssyncset.done $0x0  }
0x99: {  	s31 =	sadd.s32 $0x2080, s25;
	[sflag:s20] =	ssyncadd.s32 $0xFFFFD800  }
0x9a: {  	[spmem:s1] =	stream.indirect.scatter.add.f32 [tilespmem:s18], [sflag:$0x3], $0x80, s31, s16, $0xb8;
	[tilespmem:$0x1CC00] =	vst v63  }
0x9b: {  	_ =	swait.ge [sflag:s14], $0x2800  }
0x9c: {  	[sflag:s14] =	ssyncset.done $0x0  }
0x9d: {  	[sflag:s14] =	ssyncadd.s32 $0xFFFFD800  }
0x9e: {  	[tilespmem:s18], [sflag:$0x2] =	stream.indirect.gather [hbm4b:s4+s16], $0x80, s21, s16, $0xb8;
	[tilespmem:$0x1CC00] =	vst v63  }
0x9f: {  	_ =	swait.ge [sflag:s19], $0x2800  }
0xa0: {  	[sflag:s19] =	ssyncset.done $0x0  }
0xa1: {  	[sflag:s19] =	ssyncadd.s32 $0xFFFFD800  }
0xa2: {  	[spmem:s1] =	stream.indirect.scatter.add.f32 [tilespmem:s17], [sflag:$0x3], $0x80, s22, s16, $0xb8;
	[tilespmem:$0x1CC00] =	vst v63  }
0xa3: {  	_ =	swait.ge [sflag:s14], $0x2800  }
0xa4: {  	[sflag:s14] =	ssyncset.done $0x0  }
0xa5: {  	[sflag:s14] =	ssyncadd.s32 $0xFFFFD800  }
0xa6: {  	_ =	swait.ge [sflag:s20], $0x2800  }
0xa7: {  	[sflag:s20] =	ssyncset.done $0x0  }
0xa8: {  	[sflag:s20] =	ssyncadd.s32 $0xFFFFD800  }
0xa9: {  	[spmem:s1] =	stream.indirect.scatter.add.f32 [tilespmem:s18], [sflag:$0x3], $0x80, s23, s16, $0xb8;
	[tilespmem:$0x1CC00] =	vst v63  }
0xaa: {  	_ =	swait.ge [sflag:s14], $0x2800  }
0xab: {  	s24 =	sadd.s32 $0x1, s24;
	[sflag:s14] =	ssyncset.done $0x0  }
0xac: {  	p0 =	sne.s32 s24, s11;
	[sflag:s14] =	ssyncadd.s32 $0xFFFFD800  }
.Ltmp2:
0xad: {  	[bflag:$0x0] =	sbarrier.arrive $0xFFFF;
	(pc) =	sbr.rel @p0 .LBB2_1-.Ltmp2, $4  }
0xae: {  	[hbm:s12], [sflag:s6] =	dma.local [spmem:s13], $0x2780  }
0xaf: {  	_ =	swait.ge [sflag:s14], $0x2780  }
0xb0: {  	[sflag:s14] =	ssyncset.done $0x0  }
0xb1: {  	[sflag:s14] =	ssyncadd.s32 $0xFFFFD880  }
0xb2: {  	_ =	sfence.sel $0x180000  }
0xb3: {  	[bflag:$0x0] =	sbarrier.arrive $0xFFFF  }
0xb4: {  	p0 =	sne.s32 s2, $0x0;
	_ =	strace $0x90000047  }
0xb5: {  	s0 =	sadd.s32 @!p0 $0x100000, s0;
	[bflag:$0x2] =	sbarrier.arrive $0xFFFF  }
0xb6: {  	[sflag:s0] =	ssyncadd.tile.s32 @!p0 $0x1;
	_ =	shalt  }
.Lfunc_end2:
_tile_overlayer_lowered:
.L_overlay_start_2:
0xb7: {  	(tag) =	ssettag $0x2  }
0xb8: {  	s0 =	rddreg [dreg:$0x0];
	s2 =	stileid.u32  }
0xb9: {  	s1 =	rddreg [dreg:$0x1];
	p0 =	sne.s32 s2, $0x0  }
0xba: {  	s3 =	rddreg [dreg:$0x2];
	[bflag:$0x3] =	sbarrier.arrive $0xFFFF;
	s2 =	simm.s32 @!p0 $0x1C03  }
0xbb: {  	[timem:s3], [sflag:s2] =	dma.local @!p0 [hbm:s0], s1  }
0xbc: {  	s0 =	simm.s32 @!p0 $0x3  }
0xbd: {  	_ =	swait.ge @!p0 [sflag:s0], s1  }
0xbe: {  	s1 =	ssub.s32 @!p0 $0x0, s1;
	[sflag:s0] =	ssyncset.done @!p0 $0x0  }
0xbf: {  	[sflag:s0] =	ssyncadd.s32 @!p0 s1  }
0xc0: {  	[bflag:$0x3] =	sbarrier.arrive $0xFFFF  }
0xc1: {  	_ =	shalt  }

</sc_bundles>
